<compile_context>
chip_gen: v7x
topology: tpu7x:2x2x1
jax: 0.10.2.dev20260603
libtpu: 0.0.44.dev20260713+nightly
codegen_flags: <defaults>
</compile_context>

<pallas_src>
import jax
import jax.numpy as jnp
from jax import lax
from jax.experimental import pallas as pl
from jax.experimental.pallas import tpu as pltpu
from jax.experimental.pallas import tpu_sc as plsc

N_NODE = 10000
NRATE = 5
DIN = 128
DOUT = 32
NE = 320000

NC = 2
NS = 16
NW = NC * NS
EPT = 10240
EPAD = NW * EPT
CPW = EPT // 128
NCHUNK = EPAD // 128
TRASH_A = NRATE * N_NODE
ARENA = 50176
ASL = ARENA // NS
ZR = 392
DT = 50176
DSL = DT // NS
SBLK = 1000
NBLK = N_NODE // SBLK

_mesh = plsc.VectorSubcoreMesh(core_axis_name="c", subcore_axis_name="s")
_sc_params = pltpu.CompilerParams(use_tc_tiling_on_sc=False)


def _counts_body(src_h, dst_h, rate_h, g_out, a_out, dsrc_out, ddst_out,
                 srcv, dstv, ratev, g2, a2, ds2, dd2, onesv,
                 zbuf, dsrc_sh, ddst_sh):
    c = lax.axis_index("c")
    s = lax.axis_index("s")
    wid = c * NS + s
    z16 = jnp.zeros((16,), jnp.float32)

    def fz(i, _):
        zbuf[pl.ds(i * 16, 16)] = z16
        return 0
    lax.fori_loop(0, DSL // 16, fz, 0)

    o16 = jnp.ones((16,), jnp.float32)

    def fo(i, _):
        onesv[pl.ds(i * 16, 16)] = o16
        return 0
    lax.fori_loop(0, 8, fo, 0)

    off = pl.multiple_of(s * DSL, 8)
    pltpu.sync_copy(zbuf, dsrc_sh.at[pl.ds(off, DSL)])
    pltpu.sync_copy(zbuf, ddst_sh.at[pl.ds(off, DSL)])
    plsc.subcore_barrier()

    ebase = wid * EPT
    iota16 = lax.iota(jnp.int32, 16)

    def outer(oc, _):
        base = pl.multiple_of(ebase + oc * 1024, 8)
        pltpu.sync_copy(src_h.at[pl.ds(base, 1024)], srcv)
        pltpu.sync_copy(dst_h.at[pl.ds(base, 1024)], dstv)
        pltpu.sync_copy(rate_h.at[pl.ds(base, 1024)], ratev)

        def row(jr, _):
            def col(jc, _):
                o = jr * 128 + jc * 16
                rv = ratev[pl.ds(o, 16)]
                sv = srcv[pl.ds(o, 16)]
                dv = dstv[pl.ds(o, 16)]
                r4 = jnp.minimum(rv, 4)
                g_raw = r4 * N_NODE + sv
                a_loc = r4 * N_NODE + dv
                spread = TRASH_A + jnp.bitwise_and(sv + iota16, 127)
                valid = rv < NRATE
                cs = pl.ds(jc * 16, 16)
                g2[jr, cs] = g_raw
                a2[jr, cs] = jnp.where(valid, a_loc, spread)
                dspread = jnp.bitwise_and(iota16 * 11 + sv + dv, 127)
                ds2[jr, cs] = jnp.where(valid, rv * N_NODE + sv,
                                        NRATE * N_NODE + dspread)
                dd2[jr, cs] = jnp.where(valid, rv * N_NODE + dv,
                                        NRATE * N_NODE + dspread)
                return 0
            lax.fori_loop(0, 8, col, 0)
            return 0
        lax.fori_loop(0, 8, row, 0)

        cb = pl.multiple_of(base // 128, 8)
        pltpu.sync_copy(g2, g_out.at[pl.ds(cb, 8)])
        pltpu.sync_copy(a2, a_out.at[pl.ds(cb, 8)])

        def sc8(j, _):
            pltpu.sync_copy(onesv, dsrc_sh.at[ds2.at[j]], add=True)
            pltpu.sync_copy(onesv, ddst_sh.at[dd2.at[j]], add=True)
            return 0
        lax.fori_loop(0, 8, sc8, 0)
        return 0
    lax.fori_loop(0, CPW // 8, outer, 0)

    plsc.subcore_barrier()
    coff = pl.multiple_of(c * DT + s * DSL, 8)
    pltpu.sync_copy(dsrc_sh.at[pl.ds(off, DSL)], zbuf)
    pltpu.sync_copy(zbuf, dsrc_out.at[pl.ds(coff, DSL)])
    pltpu.sync_copy(ddst_sh.at[pl.ds(off, DSL)], zbuf)
    pltpu.sync_copy(zbuf, ddst_out.at[pl.ds(coff, DSL)])


_counts_call = pl.kernel(
    _counts_body,
    out_type=[
        jax.ShapeDtypeStruct((NCHUNK, 128), jnp.int32),
        jax.ShapeDtypeStruct((NCHUNK, 128), jnp.int32),
        jax.ShapeDtypeStruct((NC * DT,), jnp.float32),
        jax.ShapeDtypeStruct((NC * DT,), jnp.float32),
    ],
    mesh=_mesh,
    compiler_params=_sc_params,
    scratch_types=[
        pltpu.VMEM((1024,), jnp.int32),
        pltpu.VMEM((1024,), jnp.int32),
        pltpu.VMEM((1024,), jnp.int32),
        pltpu.VMEM((8, 128), jnp.int32),
        pltpu.VMEM((8, 128), jnp.int32),
        pltpu.VMEM((8, 128), jnp.int32),
        pltpu.VMEM((8, 128), jnp.int32),
        pltpu.VMEM((128,), jnp.float32),
        pltpu.VMEM((DSL,), jnp.float32),
        pltpu.VMEM_SHARED((DT,), jnp.float32),
        pltpu.VMEM_SHARED((DT,), jnp.float32),
    ],
)


def _edge_body(feat_h, g_h, a_h, zeros_h, agg_out, g2, a2, *rest):
    rows = rest[:8]
    zrow = rest[8]
    semg = rest[9:17]
    sems = rest[17:25]
    agg_sh = rest[25]
    c = lax.axis_index("c")
    s = lax.axis_index("s")
    wid = c * NS + s
    cbase = wid * CPW

    pltpu.sync_copy(zeros_h, zrow)

    def zc(i, _):
        pltpu.sync_copy(
            zrow,
            agg_sh.at[pl.ds(pl.multiple_of(s * ASL + i * ZR, 8), ZR)])
        return 0
    lax.fori_loop(0, ASL // ZR, zc, 0)
    plsc.subcore_barrier()

    def outer(oc, _):
        cb = pl.multiple_of(cbase + oc * 8, 8)
        pltpu.sync_copy(g_h.at[pl.ds(cb, 8)], g2)
        pltpu.sync_copy(a_h.at[pl.ds(cb, 8)], a2)

        gps = [pltpu.async_copy(feat_h.at[g2.at[j]], rows[j], semg[j])
               for j in range(8)]
        sps = []
        for j in range(8):
            gps[j].wait()
            sps.append(pltpu.async_copy(rows[j], agg_sh.at[a2.at[j]],
                                        sems[j], add=True))
        for sp in sps:
            sp.wait()
        return 0
    lax.fori_loop(0, CPW // 8, outer, 0)

    plsc.subcore_barrier()

    def oc4(i, _):
        soff = pl.multiple_of(s * ASL + i * ZR, 8)
        pltpu.sync_copy(agg_sh.at[pl.ds(soff, ZR)], zrow)
        pltpu.sync_copy(zrow, agg_out.at[c, pl.ds(soff, ZR)])
        return 0
    lax.fori_loop(0, ASL // ZR, oc4, 0)
    plsc.subcore_barrier()


_edge_call = pl.kernel(
    _edge_body,
    out_type=[jax.ShapeDtypeStruct((NC, ARENA, DOUT), jnp.bfloat16)],
    mesh=_mesh,
    compiler_params=_sc_params,
    scratch_types=(
        [pltpu.VMEM((8, 128), jnp.int32)] * 2
        + [pltpu.VMEM((128, DOUT), jnp.bfloat16)] * 8
        + [pltpu.VMEM((ZR, DOUT), jnp.bfloat16)]
        + [pltpu.SemaphoreType.DMA] * 16
        + [pltpu.VMEM_SHARED((ARENA, DOUT), jnp.bfloat16)]
    ),
)


def _feat_body(x_ref, w_ref, dg_ref, o_ref):
    deg = dg_ref[0, 0] + dg_ref[1, 0]
    norm = lax.rsqrt(jnp.maximum(deg, 1.0))
    y = jnp.dot(x_ref[...], w_ref[0], preferred_element_type=jnp.float32)
    o_ref[...] = (y * norm).astype(jnp.bfloat16)


_feat_call = pl.pallas_call(
    _feat_body,
    grid=(NRATE, NBLK),
    in_specs=[
        pl.BlockSpec((SBLK, DIN), lambda r, sb: (sb, 0)),
        pl.BlockSpec((1, DIN, DOUT), lambda r, sb: (r, 0, 0)),
        pl.BlockSpec((NC, 1, SBLK, 1), lambda r, sb: (0, r, sb, 0)),
    ],
    out_specs=pl.BlockSpec((SBLK, DOUT), lambda r, sb: (r * NBLK + sb, 0)),
    out_shape=jax.ShapeDtypeStruct((NRATE * N_NODE, DOUT), jnp.bfloat16),
)


def _epi_body(a0_ref, a1_ref, a2_ref, a3_ref, a4_ref, dd_ref, b_ref, o_ref):
    hs = []
    for r, ar in enumerate((a0_ref, a1_ref, a2_ref, a3_ref, a4_ref)):
        agg = (ar[0].astype(jnp.float32)
               + ar[1].astype(jnp.float32))
        deg = dd_ref[0, r] + dd_ref[1, r]
        norm = lax.rsqrt(jnp.maximum(deg, 1.0))
        h = agg * norm + b_ref[r][None, :]
        hs.append(jnp.where(deg > 0.0, h, 0.0))
    o_ref[...] = jnp.concatenate(hs, axis=1)


_epi_call = pl.pallas_call(
    _epi_body,
    grid=(NBLK,),
    in_specs=[
        pl.BlockSpec((NC, SBLK, DOUT), lambda db, r=r: (0, r * NBLK + db, 0))
        for r in range(NRATE)
    ] + [
        pl.BlockSpec((NC, NRATE, SBLK, 1), lambda db: (0, 0, db, 0)),
        pl.BlockSpec((NRATE, DOUT), lambda db: (0, 0)),
    ],
    out_specs=pl.BlockSpec((SBLK, NRATE * DOUT), lambda db: (db, 0)),
    out_shape=jax.ShapeDtypeStruct((N_NODE, NRATE * DOUT), jnp.float32),
)


@jax.jit
def kernel(x_src, x_dst, edge_index, rate, W, b):
    src = edge_index[0].astype(jnp.int32)
    dst = edge_index[1].astype(jnp.int32)
    rt = rate.astype(jnp.int32)
    pad = EPAD - NE
    zpad = jnp.zeros((pad,), jnp.int32)
    src_p = jnp.concatenate([src, zpad])
    dst_p = jnp.concatenate([dst, zpad])
    rt_p = jnp.concatenate([rt, jnp.full((pad,), NRATE, jnp.int32)])

    g, a, dsrc_p, ddst_p = _counts_call(src_p, dst_p, rt_p)
    dsrc4 = dsrc_p.reshape(NC, DT)[:, :NRATE * N_NODE].reshape(
        NC, NRATE, N_NODE, 1)
    ddst4 = ddst_p.reshape(NC, DT)[:, :NRATE * N_NODE].reshape(
        NC, NRATE, N_NODE, 1)

    feat = _feat_call(x_src, W, dsrc4)
    zeros_bf = jnp.zeros((ZR, DOUT), jnp.bfloat16)
    (arena,) = _edge_call(feat, g, a, zeros_bf)

    return _epi_call(arena, arena, arena, arena, arena, ddst4, b)

# --- scband reference (transcript-rebuilt; emitter-appended) ---
"""Pipeline reference for scband-rate-conv-43069932044948 (READ-ONLY COPY).

The authoritative reference and input builder live on the scoring server;
editing this copy changes nothing except your own understanding.
"""

import jax, jax.numpy as jnp
import numpy as np

N_SRC = 10000
N_DST = 10000
E = 320000
D_IN = 128
D_OUT = 32
N_RATES = 5

def setup_inputs(seed: int = 0) -> dict:
    key = jax.random.key(seed)
    k1, k2, k3, k4, k5, k6 = jax.random.split(key, 6)
    x_src = jax.random.normal(k1, (N_SRC, D_IN), dtype=jnp.float32)
    x_dst = jax.random.normal(k2, (N_DST, D_IN), dtype=jnp.float32)
    edge_index = jax.random.randint(k3, (2, E), 0, N_SRC, dtype=jnp.int64)
    rate = jax.random.randint(k4, (E,), 0, N_RATES, dtype=jnp.int64)
    # learned params: one GraphConv (weight + bias) per rating level
    W = jax.random.normal(k5, (N_RATES, D_IN, D_OUT), dtype=jnp.float32) * (1.0 / np.sqrt(D_IN))
    b = jnp.zeros((N_RATES, D_OUT), dtype=jnp.float32)
    return {"x_src": x_src, "x_dst": x_dst, "edge_index": edge_index, "rate": rate, "W": W, "b": b}

def reference(x_src, x_dst, edge_index, rate, W, b):
    # Faithful port of RateConv.forward: for each rating r, build the edge
    # subgraph (edges with rate==r), run a bipartite GraphConv (norm='both',
    # sum aggregation, weight + bias), scatter results back into a full-size
    # dst tensor (non-incident dst nodes stay zero), and concat over ratings.
    n_dst = x_dst.shape[0]
    n_src = x_src.shape[0]
    src = edge_index[0]
    dst = edge_index[1]
    h_list = []
    for r in range(N_RATES):
        mask = (rate == r).astype(jnp.float32)
        # degrees computed on the rate-r edge subgraph
        deg_src = jnp.zeros((n_src,), dtype=jnp.float32).at[src].add(mask)
        deg_dst = jnp.zeros((n_dst,), dtype=jnp.float32).at[dst].add(mask)
        # DGL GraphConv norm='both': clamp degrees to min 1, pow -0.5
        norm_src = jnp.power(jnp.clip(deg_src, 1.0, None), -0.5)
        norm_dst = jnp.power(jnp.clip(deg_dst, 1.0, None), -0.5)
        # in_dim > out_dim: apply weight before aggregation (DGL order)
        feat = (x_src * norm_src[:, None]) @ W[r]  # [N_src, D_OUT]
        gathered = feat[src] * mask[:, None]       # masked edge messages
        agg = jnp.zeros((n_dst, D_OUT), dtype=jnp.float32).at[dst].add(gathered)
        h = agg * norm_dst[:, None] + b[r]
        # edge_subgraph only contains incident dst nodes; the original code
        # scatters conv output into a zeros tensor, so non-incident dst rows
        # remain exactly zero (no bias leak).
        h = h * (deg_dst > 0).astype(h.dtype)[:, None]
        h_list.append(h)
    return jnp.concatenate(h_list, axis=1)

if __name__ == "__main__":
    import jax
    _d = setup_inputs()
    print(jax.jit(kernel)(*tuple(_d.values())))

</pallas_src>

<mosaic_0001>
#map = affine_map<(d0, d1) -> (0, 0)>
#map1 = affine_map<(d0, d1) -> (0, 0, 0)>
module attributes {stable_mosaic.version = 14 : i64} {
  func.func @_edge_body(%arg0: i32, %arg1: i32, %arg2: memref<50000x32xbf16, #tpu.memory_space<hbm>>, %arg3: memref<2560x128xi32, #tpu.memory_space<hbm>>, %arg4: memref<2560x128xi32, #tpu.memory_space<hbm>>, %arg5: memref<392x32xbf16, #tpu.memory_space<hbm>>, %arg6: memref<2x50176x32xbf16, #tpu.memory_space<hbm>>, %arg7: memref<8x128xi32, #tpu.memory_space<vmem>>, %arg8: memref<8x128xi32, #tpu.memory_space<vmem>>, %arg9: memref<128x32xbf16, #tpu.memory_space<vmem>>, %arg10: memref<128x32xbf16, #tpu.memory_space<vmem>>, %arg11: memref<128x32xbf16, #tpu.memory_space<vmem>>, %arg12: memref<128x32xbf16, #tpu.memory_space<vmem>>, %arg13: memref<128x32xbf16, #tpu.memory_space<vmem>>, %arg14: memref<128x32xbf16, #tpu.memory_space<vmem>>, %arg15: memref<128x32xbf16, #tpu.memory_space<vmem>>, %arg16: memref<128x32xbf16, #tpu.memory_space<vmem>>, %arg17: memref<392x32xbf16, #tpu.memory_space<vmem>>, %arg18: memref<!tpu.dma_semaphore, #tpu.memory_space<semaphore_mem>>, %arg19: memref<!tpu.dma_semaphore, #tpu.memory_space<semaphore_mem>>, %arg20: memref<!tpu.dma_semaphore, #tpu.memory_space<semaphore_mem>>, %arg21: memref<!tpu.dma_semaphore, #tpu.memory_space<semaphore_mem>>, %arg22: memref<!tpu.dma_semaphore, #tpu.memory_space<semaphore_mem>>, %arg23: memref<!tpu.dma_semaphore, #tpu.memory_space<semaphore_mem>>, %arg24: memref<!tpu.dma_semaphore, #tpu.memory_space<semaphore_mem>>, %arg25: memref<!tpu.dma_semaphore, #tpu.memory_space<semaphore_mem>>, %arg26: memref<!tpu.dma_semaphore, #tpu.memory_space<semaphore_mem>>, %arg27: memref<!tpu.dma_semaphore, #tpu.memory_space<semaphore_mem>>, %arg28: memref<!tpu.dma_semaphore, #tpu.memory_space<semaphore_mem>>, %arg29: memref<!tpu.dma_semaphore, #tpu.memory_space<semaphore_mem>>, %arg30: memref<!tpu.dma_semaphore, #tpu.memory_space<semaphore_mem>>, %arg31: memref<!tpu.dma_semaphore, #tpu.memory_space<semaphore_mem>>, %arg32: memref<!tpu.dma_semaphore, #tpu.memory_space<semaphore_mem>>, %arg33: memref<!tpu.dma_semaphore, #tpu.memory_space<semaphore_mem>>, %arg34: memref<50176x32xbf16, #tpu.memory_space<vmem_shared>>) attributes {dimension_semantics = [#tpu.dimension_semantics<core_parallel>, #tpu.dimension_semantics<subcore_parallel>], iteration_bounds = array<i64: 2, 16>, scalar_prefetch = 0 : i64, scratch_operands = 28 : i64, tpu.core_type = #tpu.core_type<sc_vector_subcore>, window_params = [{transform_indices = #map}, {transform_indices = #map}, {transform_indices = #map}, {transform_indices = #map}, {transform_indices = #map1}]} {
    %mul3A = arith.constant 16 : i32
    %mul3A_0 = arith.muli %arg0, %mul3A : i32
    %add3A = arith.addi %mul3A_0, %arg1 : i32
    %mul3A_1 = arith.constant 80 : i32
    %mul3A_2 = arith.muli %add3A, %mul3A_1 : i32
    "tpu.region"() ({
      %run_scoped3A = tpu.sem_alloc : memref<!tpu.dma_semaphore, #tpu.memory_space<semaphore_mem>>
      tpu.enqueue_dma source(%arg5 : memref<392x32xbf16, #tpu.memory_space<hbm>>) target(%arg17 : memref<392x32xbf16, #tpu.memory_space<vmem>>) target_semaphore(%run_scoped3A : memref<!tpu.dma_semaphore, #tpu.memory_space<semaphore_mem>>)
      tpu.wait_dma2 semaphore(%run_scoped3A : memref<!tpu.dma_semaphore, #tpu.memory_space<semaphore_mem>>) src(%arg5 : memref<392x32xbf16, #tpu.memory_space<hbm>>) dst(%arg17 : memref<392x32xbf16, #tpu.memory_space<vmem>>)
      tpu.yield
    }) : () -> ()
    %scan3A = arith.constant 0 : i32
    %scan3A_3 = arith.constant 0 : i32
    %scan3A_4 = arith.constant 8 : i32
    %scan3A_5 = arith.addi %scan3A_3, %scan3A_4 : i32
    %scan3A_6 = arith.constant 1 : i32
    %scan3A_7 = scf.for %scan3A_25 = %scan3A_3 to %scan3A_5 step %scan3A_6 iter_args(%scan3A_26 = %scan3A) -> (i32)  : i32 {
      %mul3A_27 = arith.constant 3136 : i32
      %mul3A_28 = arith.muli %arg1, %mul3A_27 : i32
      %mul3A_29 = arith.constant 392 : i32
      %mul3A_30 = arith.muli %scan3A_25, %mul3A_29 : i32
      %add3A_31 = arith.addi %mul3A_28, %mul3A_30 : i32
      %multiple_of3A = tpu.assume_multiple %add3A_31, 8 : i32
      "tpu.region"() ({
        %run_scoped3A = tpu.sem_alloc : memref<!tpu.dma_semaphore, #tpu.memory_space<semaphore_mem>>
        %dma_start3A = arith.constant 0 : i32
        %dma_start3A_33 = tpu.memref_slice %arg34[%multiple_of3A, %dma_start3A] : memref<50176x32xbf16, #tpu.memory_space<vmem_shared>> -> memref<392x32xbf16, #tpu.memory_space<vmem_shared>>
        %dma_start3A_34 = arith.constant 0 : i32
        %dma_start3A_35 = tpu.memref_slice %arg34[%multiple_of3A, %dma_start3A_34] : memref<50176x32xbf16, #tpu.memory_space<vmem_shared>> -> memref<392x32xbf16, #tpu.memory_space<vmem_shared>>
        tpu.enqueue_dma source(%arg17 : memref<392x32xbf16, #tpu.memory_space<vmem>>) target(%dma_start3A_35 : memref<392x32xbf16, #tpu.memory_space<vmem_shared>>) target_semaphore(%run_scoped3A : memref<!tpu.dma_semaphore, #tpu.memory_space<semaphore_mem>>)
        %dma_wait3A = arith.constant 0 : i32
        %dma_wait3A_36 = tpu.memref_slice %arg34[%multiple_of3A, %dma_wait3A] : memref<50176x32xbf16, #tpu.memory_space<vmem_shared>> -> memref<392x32xbf16, #tpu.memory_space<vmem_shared>>
        %dma_wait3A_37 = arith.constant 0 : i32
        %dma_wait3A_38 = tpu.memref_slice %arg34[%multiple_of3A, %dma_wait3A_37] : memref<50176x32xbf16, #tpu.memory_space<vmem_shared>> -> memref<392x32xbf16, #tpu.memory_space<vmem_shared>>
        tpu.wait_dma2 semaphore(%run_scoped3A : memref<!tpu.dma_semaphore, #tpu.memory_space<semaphore_mem>>) src(%arg17 : memref<392x32xbf16, #tpu.memory_space<vmem>>) dst(%dma_wait3A_38 : memref<392x32xbf16, #tpu.memory_space<vmem_shared>>)
        tpu.yield
      }) : () -> ()
      %scan3A_32 = arith.constant 0 : i32
      scf.yield %scan3A_32 : i32
    }
    %scan3A_8 = arith.constant 8 : i32
    %barrier3A = arith.constant 0 : index
    tpu.barrier barrier_id(%barrier3A)
    %scan3A_9 = arith.constant 0 : i32
    %scan3A_10 = arith.constant 0 : i32
    %scan3A_11 = arith.constant 10 : i32
    %scan3A_12 = arith.addi %scan3A_10, %scan3A_11 : i32
    %scan3A_13 = arith.constant 1 : i32
    %scan3A_14 = scf.for %scan3A_25 = %scan3A_10 to %scan3A_12 step %scan3A_13 iter_args(%scan3A_26 = %scan3A_9) -> (i32)  : i32 {
      %mul3A_27 = arith.constant 8 : i32
      %mul3A_28 = arith.muli %scan3A_25, %mul3A_27 : i32
      %add3A_29 = arith.addi %mul3A_2, %mul3A_28 : i32
      %multiple_of3A = tpu.assume_multiple %add3A_29, 8 : i32
      "tpu.region"() ({
        %run_scoped3A = tpu.sem_alloc : memref<!tpu.dma_semaphore, #tpu.memory_space<semaphore_mem>>
        %dma_start3A_253 = arith.constant 0 : i32
        %dma_start3A_254 = tpu.memref_slice %arg3[%multiple_of3A, %dma_start3A_253] : memref<2560x128xi32, #tpu.memory_space<hbm>> -> memref<8x128xi32, #tpu.memory_space<hbm>>
        %dma_start3A_255 = arith.constant 0 : i32
        %dma_start3A_256 = tpu.memref_slice %arg3[%multiple_of3A, %dma_start3A_255] : memref<2560x128xi32, #tpu.memory_space<hbm>> -> memref<8x128xi32, #tpu.memory_space<hbm>>
        tpu.enqueue_dma source(%dma_start3A_256 : memref<8x128xi32, #tpu.memory_space<hbm>>) target(%arg7 : memref<8x128xi32, #tpu.memory_space<vmem>>) target_semaphore(%run_scoped3A : memref<!tpu.dma_semaphore, #tpu.memory_space<semaphore_mem>>)
        %dma_wait3A_257 = arith.constant 0 : i32
        %dma_wait3A_258 = tpu.memref_slice %arg3[%multiple_of3A, %dma_wait3A_257] : memref<2560x128xi32, #tpu.memory_space<hbm>> -> memref<8x128xi32, #tpu.memory_space<hbm>>
        %dma_wait3A_259 = arith.constant 0 : i32
        %dma_wait3A_260 = tpu.memref_slice %arg3[%multiple_of3A, %dma_wait3A_259] : memref<2560x128xi32, #tpu.memory_space<hbm>> -> memref<8x128xi32, #tpu.memory_space<hbm>>
        tpu.wait_dma2 semaphore(%run_scoped3A : memref<!tpu.dma_semaphore, #tpu.memory_space<semaphore_mem>>) src(%dma_wait3A_260 : memref<8x128xi32, #tpu.memory_space<hbm>>) dst(%arg7 : memref<8x128xi32, #tpu.memory_space<vmem>>)
        tpu.yield
      }) : () -> ()
      "tpu.region"() ({
        %run_scoped3A = tpu.sem_alloc : memref<!tpu.dma_semaphore, #tpu.memory_space<semaphore_mem>>
        %dma_start3A_253 = arith.constant 0 : i32
        %dma_start3A_254 = tpu.memref_slice %arg4[%multiple_of3A, %dma_start3A_253] : memref<2560x128xi32, #tpu.memory_space<hbm>> -> memref<8x128xi32, #tpu.memory_space<hbm>>
        %dma_start3A_255 = arith.constant 0 : i32
        %dma_start3A_256 = tpu.memref_slice %arg4[%multiple_of3A, %dma_start3A_255] : memref<2560x128xi32, #tpu.memory_space<hbm>> -> memref<8x128xi32, #tpu.memory_space<hbm>>
        tpu.enqueue_dma source(%dma_start3A_256 : memref<8x128xi32, #tpu.memory_space<hbm>>) target(%arg8 : memref<8x128xi32, #tpu.memory_space<vmem>>) target_semaphore(%run_scoped3A : memref<!tpu.dma_semaphore, #tpu.memory_space<semaphore_mem>>)
        %dma_wait3A_257 = arith.constant 0 : i32
        %dma_wait3A_258 = tpu.memref_slice %arg4[%multiple_of3A, %dma_wait3A_257] : memref<2560x128xi32, #tpu.memory_space<hbm>> -> memref<8x128xi32, #tpu.memory_space<hbm>>
        %dma_wait3A_259 = arith.constant 0 : i32
        %dma_wait3A_260 = tpu.memref_slice %arg4[%multiple_of3A, %dma_wait3A_259] : memref<2560x128xi32, #tpu.memory_space<hbm>> -> memref<8x128xi32, #tpu.memory_space<hbm>>
        tpu.wait_dma2 semaphore(%run_scoped3A : memref<!tpu.dma_semaphore, #tpu.memory_space<semaphore_mem>>) src(%dma_wait3A_260 : memref<8x128xi32, #tpu.memory_space<hbm>>) dst(%arg8 : memref<8x128xi32, #tpu.memory_space<vmem>>)
        tpu.yield
      }) : () -> ()
      %dma_start3A = arith.constant 0 : i32
      %dma_start3A_30 = arith.constant 0 : i32
      %dma_start3A_31 = tpu.memref_slice %arg7[%dma_start3A, %dma_start3A_30] : memref<8x128xi32, #tpu.memory_space<vmem>> -> memref<1x128xi32, #tpu.memory_space<vmem>>
      %dma_start3A_32 = tpu.memref_squeeze %dma_start3A_31 : memref<1x128xi32, #tpu.memory_space<vmem>> -> memref<128xi32, #tpu.memory_space<vmem>>
      %dma_start3A_33 = arith.constant 0 : i32
      %dma_start3A_34 = arith.constant 0 : i32
      %dma_start3A_35 = tpu.memref_slice %arg2[%dma_start3A_33, %dma_start3A_34] : memref<50000x32xbf16, #tpu.memory_space<hbm>> -> memref<50000x32xbf16, #tpu.memory_space<hbm>>
      tpu.enqueue_indirect_dma source(%dma_start3A_35 : memref<50000x32xbf16, #tpu.memory_space<hbm>>) target(%arg9 : memref<128x32xbf16, #tpu.memory_space<vmem>>) offsets(%dma_start3A_32 : memref<128xi32, #tpu.memory_space<vmem>>) semaphore(%arg18 : memref<!tpu.dma_semaphore, #tpu.memory_space<semaphore_mem>>)
      %dma_start3A_36 = arith.constant 1 : i32
      %dma_start3A_37 = arith.constant 0 : i32
      %dma_start3A_38 = tpu.memref_slice %arg7[%dma_start3A_36, %dma_start3A_37] : memref<8x128xi32, #tpu.memory_space<vmem>> -> memref<1x128xi32, #tpu.memory_space<vmem>>
      %dma_start3A_39 = tpu.memref_squeeze %dma_start3A_38 : memref<1x128xi32, #tpu.memory_space<vmem>> -> memref<128xi32, #tpu.memory_space<vmem>>
      %dma_start3A_40 = arith.constant 0 : i32
      %dma_start3A_41 = arith.constant 0 : i32
      %dma_start3A_42 = tpu.memref_slice %arg2[%dma_start3A_40, %dma_start3A_41] : memref<50000x32xbf16, #tpu.memory_space<hbm>> -> memref<50000x32xbf16, #tpu.memory_space<hbm>>
      tpu.enqueue_indirect_dma source(%dma_start3A_42 : memref<50000x32xbf16, #tpu.memory_space<hbm>>) target(%arg10 : memref<128x32xbf16, #tpu.memory_space<vmem>>) offsets(%dma_start3A_39 : memref<128xi32, #tpu.memory_space<vmem>>) semaphore(%arg19 : memref<!tpu.dma_semaphore, #tpu.memory_space<semaphore_mem>>)
      %dma_start3A_43 = arith.constant 2 : i32
      %dma_start3A_44 = arith.constant 0 : i32
      %dma_start3A_45 = tpu.memref_slice %arg7[%dma_start3A_43, %dma_start3A_44] : memref<8x128xi32, #tpu.memory_space<vmem>> -> memref<1x128xi32, #tpu.memory_space<vmem>>
      %dma_start3A_46 = tpu.memref_squeeze %dma_start3A_45 : memref<1x128xi32, #tpu.memory_space<vmem>> -> memref<128xi32, #tpu.memory_space<vmem>>
      %dma_start3A_47 = arith.constant 0 : i32
      %dma_start3A_48 = arith.constant 0 : i32
      %dma_start3A_49 = tpu.memref_slice %arg2[%dma_start3A_47, %dma_start3A_48] : memref<50000x32xbf16, #tpu.memory_space<hbm>> -> memref<50000x32xbf16, #tpu.memory_space<hbm>>
      tpu.enqueue_indirect_dma source(%dma_start3A_49 : memref<50000x32xbf16, #tpu.memory_space<hbm>>) target(%arg11 : memref<128x32xbf16, #tpu.memory_space<vmem>>) offsets(%dma_start3A_46 : memref<128xi32, #tpu.memory_space<vmem>>) semaphore(%arg20 : memref<!tpu.dma_semaphore, #tpu.memory_space<semaphore_mem>>)
      %dma_start3A_50 = arith.constant 3 : i32
      %dma_start3A_51 = arith.constant 0 : i32
      %dma_start3A_52 = tpu.memref_slice %arg7[%dma_start3A_50, %dma_start3A_51] : memref<8x128xi32, #tpu.memory_space<vmem>> -> memref<1x128xi32, #tpu.memory_space<vmem>>
      %dma_start3A_53 = tpu.memref_squeeze %dma_start3A_52 : memref<1x128xi32, #tpu.memory_space<vmem>> -> memref<128xi32, #tpu.memory_space<vmem>>
      %dma_start3A_54 = arith.constant 0 : i32
      %dma_start3A_55 = arith.constant 0 : i32
      %dma_start3A_56 = tpu.memref_slice %arg2[%dma_start3A_54, %dma_start3A_55] : memref<50000x32xbf16, #tpu.memory_space<hbm>> -> memref<50000x32xbf16, #tpu.memory_space<hbm>>
      tpu.enqueue_indirect_dma source(%dma_start3A_56 : memref<50000x32xbf16, #tpu.memory_space<hbm>>) target(%arg12 : memref<128x32xbf16, #tpu.memory_space<vmem>>) offsets(%dma_start3A_53 : memref<128xi32, #tpu.memory_space<vmem>>) semaphore(%arg21 : memref<!tpu.dma_semaphore, #tpu.memory_space<semaphore_mem>>)
      %dma_start3A_57 = arith.constant 4 : i32
      %dma_start3A_58 = arith.constant 0 : i32
      %dma_start3A_59 = tpu.memref_slice %arg7[%dma_start3A_57, %dma_start3A_58] : memref<8x128xi32, #tpu.memory_space<vmem>> -> memref<1x128xi32, #tpu.memory_space<vmem>>
      %dma_start3A_60 = tpu.memref_squeeze %dma_start3A_59 : memref<1x128xi32, #tpu.memory_space<vmem>> -> memref<128xi32, #tpu.memory_space<vmem>>
      %dma_start3A_61 = arith.constant 0 : i32
      %dma_start3A_62 = arith.constant 0 : i32
      %dma_start3A_63 = tpu.memref_slice %arg2[%dma_start3A_61, %dma_start3A_62] : memref<50000x32xbf16, #tpu.memory_space<hbm>> -> memref<50000x32xbf16, #tpu.memory_space<hbm>>
      tpu.enqueue_indirect_dma source(%dma_start3A_63 : memref<50000x32xbf16, #tpu.memory_space<hbm>>) target(%arg13 : memref<128x32xbf16, #tpu.memory_space<vmem>>) offsets(%dma_start3A_60 : memref<128xi32, #tpu.memory_space<vmem>>) semaphore(%arg22 : memref<!tpu.dma_semaphore, #tpu.memory_space<semaphore_mem>>)
      %dma_start3A_64 = arith.constant 5 : i32
      %dma_start3A_65 = arith.constant 0 : i32
      %dma_start3A_66 = tpu.memref_slice %arg7[%dma_start3A_64, %dma_start3A_65] : memref<8x128xi32, #tpu.memory_space<vmem>> -> memref<1x128xi32, #tpu.memory_space<vmem>>
      %dma_start3A_67 = tpu.memref_squeeze %dma_start3A_66 : memref<1x128xi32, #tpu.memory_space<vmem>> -> memref<128xi32, #tpu.memory_space<vmem>>
      %dma_start3A_68 = arith.constant 0 : i32
      %dma_start3A_69 = arith.constant 0 : i32
      %dma_start3A_70 = tpu.memref_slice %arg2[%dma_start3A_68, %dma_start3A_69] : memref<50000x32xbf16, #tpu.memory_space<hbm>> -> memref<50000x32xbf16, #tpu.memory_space<hbm>>
      tpu.enqueue_indirect_dma source(%dma_start3A_70 : memref<50000x32xbf16, #tpu.memory_space<hbm>>) target(%arg14 : memref<128x32xbf16, #tpu.memory_space<vmem>>) offsets(%dma_start3A_67 : memref<128xi32, #tpu.memory_space<vmem>>) semaphore(%arg23 : memref<!tpu.dma_semaphore, #tpu.memory_space<semaphore_mem>>)
      %dma_start3A_71 = arith.constant 6 : i32
      %dma_start3A_72 = arith.constant 0 : i32
      %dma_start3A_73 = tpu.memref_slice %arg7[%dma_start3A_71, %dma_start3A_72] : memref<8x128xi32, #tpu.memory_space<vmem>> -> memref<1x128xi32, #tpu.memory_space<vmem>>
      %dma_start3A_74 = tpu.memref_squeeze %dma_start3A_73 : memref<1x128xi32, #tpu.memory_space<vmem>> -> memref<128xi32, #tpu.memory_space<vmem>>
      %dma_start3A_75 = arith.constant 0 : i32
      %dma_start3A_76 = arith.constant 0 : i32
      %dma_start3A_77 = tpu.memref_slice %arg2[%dma_start3A_75, %dma_start3A_76] : memref<50000x32xbf16, #tpu.memory_space<hbm>> -> memref<50000x32xbf16, #tpu.memory_space<hbm>>
      tpu.enqueue_indirect_dma source(%dma_start3A_77 : memref<50000x32xbf16, #tpu.memory_space<hbm>>) target(%arg15 : memref<128x32xbf16, #tpu.memory_space<vmem>>) offsets(%dma_start3A_74 : memref<128xi32, #tpu.memory_space<vmem>>) semaphore(%arg24 : memref<!tpu.dma_semaphore, #tpu.memory_space<semaphore_mem>>)
      %dma_start3A_78 = arith.constant 7 : i32
      %dma_start3A_79 = arith.constant 0 : i32
      %dma_start3A_80 = tpu.memref_slice %arg7[%dma_start3A_78, %dma_start3A_79] : memref<8x128xi32, #tpu.memory_space<vmem>> -> memref<1x128xi32, #tpu.memory_space<vmem>>
      %dma_start3A_81 = tpu.memref_squeeze %dma_start3A_80 : memref<1x128xi32, #tpu.memory_space<vmem>> -> memref<128xi32, #tpu.memory_space<vmem>>
      %dma_start3A_82 = arith.constant 0 : i32
      %dma_start3A_83 = arith.constant 0 : i32
      %dma_start3A_84 = tpu.memref_slice %arg2[%dma_start3A_82, %dma_start3A_83] : memref<50000x32xbf16, #tpu.memory_space<hbm>> -> memref<50000x32xbf16, #tpu.memory_space<hbm>>
      tpu.enqueue_indirect_dma source(%dma_start3A_84 : memref<50000x32xbf16, #tpu.memory_space<hbm>>) target(%arg16 : memref<128x32xbf16, #tpu.memory_space<vmem>>) offsets(%dma_start3A_81 : memref<128xi32, #tpu.memory_space<vmem>>) semaphore(%arg25 : memref<!tpu.dma_semaphore, #tpu.memory_space<semaphore_mem>>)
      %dma_wait3A = arith.constant 0 : i32
      %dma_wait3A_85 = arith.constant 0 : i32
      %dma_wait3A_86 = tpu.memref_slice %arg7[%dma_wait3A, %dma_wait3A_85] : memref<8x128xi32, #tpu.memory_space<vmem>> -> memref<1x128xi32, #tpu.memory_space<vmem>>
      %dma_wait3A_87 = tpu.memref_squeeze %dma_wait3A_86 : memref<1x128xi32, #tpu.memory_space<vmem>> -> memref<128xi32, #tpu.memory_space<vmem>>
      %dma_wait3A_88 = arith.constant 0 : i32
      %dma_wait3A_89 = arith.constant 0 : i32
      %dma_wait3A_90 = tpu.memref_slice %arg2[%dma_wait3A_88, %dma_wait3A_89] : memref<50000x32xbf16, #tpu.memory_space<hbm>> -> memref<50000x32xbf16, #tpu.memory_space<hbm>>
      tpu.wait_indirect_dma semaphore(%arg18 : memref<!tpu.dma_semaphore, #tpu.memory_space<semaphore_mem>>) src(%dma_wait3A_90 : memref<50000x32xbf16, #tpu.memory_space<hbm>>) dst(%arg9 : memref<128x32xbf16, #tpu.memory_space<vmem>>)
      %dma_start3A_91 = arith.constant 0 : i32
      %dma_start3A_92 = arith.constant 0 : i32
      %dma_start3A_93 = tpu.memref_slice %arg8[%dma_start3A_91, %dma_start3A_92] : memref<8x128xi32, #tpu.memory_space<vmem>> -> memref<1x128xi32, #tpu.memory_space<vmem>>
      %dma_start3A_94 = tpu.memref_squeeze %dma_start3A_93 : memref<1x128xi32, #tpu.memory_space<vmem>> -> memref<128xi32, #tpu.memory_space<vmem>>
      %dma_start3A_95 = arith.constant 0 : i32
      %dma_start3A_96 = arith.constant 0 : i32
      %dma_start3A_97 = tpu.memref_slice %arg34[%dma_start3A_95, %dma_start3A_96] : memref<50176x32xbf16, #tpu.memory_space<vmem_shared>> -> memref<50176x32xbf16, #tpu.memory_space<vmem_shared>>
      tpu.enqueue_indirect_dma source(%arg9 : memref<128x32xbf16, #tpu.memory_space<vmem>>) target(%dma_start3A_97 : memref<50176x32xbf16, #tpu.memory_space<vmem_shared>>) offsets(%dma_start3A_94 : memref<128xi32, #tpu.memory_space<vmem>>) semaphore(%arg26 : memref<!tpu.dma_semaphore, #tpu.memory_space<semaphore_mem>>) {add = true}
      %dma_wait3A_98 = arith.constant 1 : i32
      %dma_wait3A_99 = arith.constant 0 : i32
      %dma_wait3A_100 = tpu.memref_slice %arg7[%dma_wait3A_98, %dma_wait3A_99] : memref<8x128xi32, #tpu.memory_space<vmem>> -> memref<1x128xi32, #tpu.memory_space<vmem>>
      %dma_wait3A_101 = tpu.memref_squeeze %dma_wait3A_100 : memref<1x128xi32, #tpu.memory_space<vmem>> -> memref<128xi32, #tpu.memory_space<vmem>>
      %dma_wait3A_102 = arith.constant 0 : i32
      %dma_wait3A_103 = arith.constant 0 : i32
      %dma_wait3A_104 = tpu.memref_slice %arg2[%dma_wait3A_102, %dma_wait3A_103] : memref<50000x32xbf16, #tpu.memory_space<hbm>> -> memref<50000x32xbf16, #tpu.memory_space<hbm>>
      tpu.wait_indirect_dma semaphore(%arg19 : memref<!tpu.dma_semaphore, #tpu.memory_space<semaphore_mem>>) src(%dma_wait3A_104 : memref<50000x32xbf16, #tpu.memory_space<hbm>>) dst(%arg10 : memref<128x32xbf16, #tpu.memory_space<vmem>>)
      %dma_start3A_105 = arith.constant 1 : i32
      %dma_start3A_106 = arith.constant 0 : i32
      %dma_start3A_107 = tpu.memref_slice %arg8[%dma_start3A_105, %dma_start3A_106] : memref<8x128xi32, #tpu.memory_space<vmem>> -> memref<1x128xi32, #tpu.memory_space<vmem>>
      %dma_start3A_108 = tpu.memref_squeeze %dma_start3A_107 : memref<1x128xi32, #tpu.memory_space<vmem>> -> memref<128xi32, #tpu.memory_space<vmem>>
      %dma_start3A_109 = arith.constant 0 : i32
      %dma_start3A_110 = arith.constant 0 : i32
      %dma_start3A_111 = tpu.memref_slice %arg34[%dma_start3A_109, %dma_start3A_110] : memref<50176x32xbf16, #tpu.memory_space<vmem_shared>> -> memref<50176x32xbf16, #tpu.memory_space<vmem_shared>>
      tpu.enqueue_indirect_dma source(%arg10 : memref<128x32xbf16, #tpu.memory_space<vmem>>) target(%dma_start3A_111 : memref<50176x32xbf16, #tpu.memory_space<vmem_shared>>) offsets(%dma_start3A_108 : memref<128xi32, #tpu.memory_space<vmem>>) semaphore(%arg27 : memref<!tpu.dma_semaphore, #tpu.memory_space<semaphore_mem>>) {add = true}
      %dma_wait3A_112 = arith.constant 2 : i32
      %dma_wait3A_113 = arith.constant 0 : i32
      %dma_wait3A_114 = tpu.memref_slice %arg7[%dma_wait3A_112, %dma_wait3A_113] : memref<8x128xi32, #tpu.memory_space<vmem>> -> memref<1x128xi32, #tpu.memory_space<vmem>>
      %dma_wait3A_115 = tpu.memref_squeeze %dma_wait3A_114 : memref<1x128xi32, #tpu.memory_space<vmem>> -> memref<128xi32, #tpu.memory_space<vmem>>
      %dma_wait3A_116 = arith.constant 0 : i32
      %dma_wait3A_117 = arith.constant 0 : i32
      %dma_wait3A_118 = tpu.memref_slice %arg2[%dma_wait3A_116, %dma_wait3A_117] : memref<50000x32xbf16, #tpu.memory_space<hbm>> -> memref<50000x32xbf16, #tpu.memory_space<hbm>>
      tpu.wait_indirect_dma semaphore(%arg20 : memref<!tpu.dma_semaphore, #tpu.memory_space<semaphore_mem>>) src(%dma_wait3A_118 : memref<50000x32xbf16, #tpu.memory_space<hbm>>) dst(%arg11 : memref<128x32xbf16, #tpu.memory_space<vmem>>)
      %dma_start3A_119 = arith.constant 2 : i32
      %dma_start3A_120 = arith.constant 0 : i32
      %dma_start3A_121 = tpu.memref_slice %arg8[%dma_start3A_119, %dma_start3A_120] : memref<8x128xi32, #tpu.memory_space<vmem>> -> memref<1x128xi32, #tpu.memory_space<vmem>>
      %dma_start3A_122 = tpu.memref_squeeze %dma_start3A_121 : memref<1x128xi32, #tpu.memory_space<vmem>> -> memref<128xi32, #tpu.memory_space<vmem>>
      %dma_start3A_123 = arith.constant 0 : i32
      %dma_start3A_124 = arith.constant 0 : i32
      %dma_start3A_125 = tpu.memref_slice %arg34[%dma_start3A_123, %dma_start3A_124] : memref<50176x32xbf16, #tpu.memory_space<vmem_shared>> -> memref<50176x32xbf16, #tpu.memory_space<vmem_shared>>
      tpu.enqueue_indirect_dma source(%arg11 : memref<128x32xbf16, #tpu.memory_space<vmem>>) target(%dma_start3A_125 : memref<50176x32xbf16, #tpu.memory_space<vmem_shared>>) offsets(%dma_start3A_122 : memref<128xi32, #tpu.memory_space<vmem>>) semaphore(%arg28 : memref<!tpu.dma_semaphore, #tpu.memory_space<semaphore_mem>>) {add = true}
      %dma_wait3A_126 = arith.constant 3 : i32
      %dma_wait3A_127 = arith.constant 0 : i32
      %dma_wait3A_128 = tpu.memref_slice %arg7[%dma_wait3A_126, %dma_wait3A_127] : memref<8x128xi32, #tpu.memory_space<vmem>> -> memref<1x128xi32, #tpu.memory_space<vmem>>
      %dma_wait3A_129 = tpu.memref_squeeze %dma_wait3A_128 : memref<1x128xi32, #tpu.memory_space<vmem>> -> memref<128xi32, #tpu.memory_space<vmem>>
      %dma_wait3A_130 = arith.constant 0 : i32
      %dma_wait3A_131 = arith.constant 0 : i32
      %dma_wait3A_132 = tpu.memref_slice %arg2[%dma_wait3A_130, %dma_wait3A_131] : memref<50000x32xbf16, #tpu.memory_space<hbm>> -> memref<50000x32xbf16, #tpu.memory_space<hbm>>
      tpu.wait_indirect_dma semaphore(%arg21 : memref<!tpu.dma_semaphore, #tpu.memory_space<semaphore_mem>>) src(%dma_wait3A_132 : memref<50000x32xbf16, #tpu.memory_space<hbm>>) dst(%arg12 : memref<128x32xbf16, #tpu.memory_space<vmem>>)
      %dma_start3A_133 = arith.constant 3 : i32
      %dma_start3A_134 = arith.constant 0 : i32
      %dma_start3A_135 = tpu.memref_slice %arg8[%dma_start3A_133, %dma_start3A_134] : memref<8x128xi32, #tpu.memory_space<vmem>> -> memref<1x128xi32, #tpu.memory_space<vmem>>
      %dma_start3A_136 = tpu.memref_squeeze %dma_start3A_135 : memref<1x128xi32, #tpu.memory_space<vmem>> -> memref<128xi32, #tpu.memory_space<vmem>>
      %dma_start3A_137 = arith.constant 0 : i32
      %dma_start3A_138 = arith.constant 0 : i32
      %dma_start3A_139 = tpu.memref_slice %arg34[%dma_start3A_137, %dma_start3A_138] : memref<50176x32xbf16, #tpu.memory_space<vmem_shared>> -> memref<50176x32xbf16, #tpu.memory_space<vmem_shared>>
      tpu.enqueue_indirect_dma source(%arg12 : memref<128x32xbf16, #tpu.memory_space<vmem>>) target(%dma_start3A_139 : memref<50176x32xbf16, #tpu.memory_space<vmem_shared>>) offsets(%dma_start3A_136 : memref<128xi32, #tpu.memory_space<vmem>>) semaphore(%arg29 : memref<!tpu.dma_semaphore, #tpu.memory_space<semaphore_mem>>) {add = true}
      %dma_wait3A_140 = arith.constant 4 : i32
      %dma_wait3A_141 = arith.constant 0 : i32
      %dma_wait3A_142 = tpu.memref_slice %arg7[%dma_wait3A_140, %dma_wait3A_141] : memref<8x128xi32, #tpu.memory_space<vmem>> -> memref<1x128xi32, #tpu.memory_space<vmem>>
      %dma_wait3A_143 = tpu.memref_squeeze %dma_wait3A_142 : memref<1x128xi32, #tpu.memory_space<vmem>> -> memref<128xi32, #tpu.memory_space<vmem>>
      %dma_wait3A_144 = arith.constant 0 : i32
      %dma_wait3A_145 = arith.constant 0 : i32
      %dma_wait3A_146 = tpu.memref_slice %arg2[%dma_wait3A_144, %dma_wait3A_145] : memref<50000x32xbf16, #tpu.memory_space<hbm>> -> memref<50000x32xbf16, #tpu.memory_space<hbm>>
      tpu.wait_indirect_dma semaphore(%arg22 : memref<!tpu.dma_semaphore, #tpu.memory_space<semaphore_mem>>) src(%dma_wait3A_146 : memref<50000x32xbf16, #tpu.memory_space<hbm>>) dst(%arg13 : memref<128x32xbf16, #tpu.memory_space<vmem>>)
      %dma_start3A_147 = arith.constant 4 : i32
      %dma_start3A_148 = arith.constant 0 : i32
      %dma_start3A_149 = tpu.memref_slice %arg8[%dma_start3A_147, %dma_start3A_148] : memref<8x128xi32, #tpu.memory_space<vmem>> -> memref<1x128xi32, #tpu.memory_space<vmem>>
      %dma_start3A_150 = tpu.memref_squeeze %dma_start3A_149 : memref<1x128xi32, #tpu.memory_space<vmem>> -> memref<128xi32, #tpu.memory_space<vmem>>
      %dma_start3A_151 = arith.constant 0 : i32
      %dma_start3A_152 = arith.constant 0 : i32
      %dma_start3A_153 = tpu.memref_slice %arg34[%dma_start3A_151, %dma_start3A_152] : memref<50176x32xbf16, #tpu.memory_space<vmem_shared>> -> memref<50176x32xbf16, #tpu.memory_space<vmem_shared>>
      tpu.enqueue_indirect_dma source(%arg13 : memref<128x32xbf16, #tpu.memory_space<vmem>>) target(%dma_start3A_153 : memref<50176x32xbf16, #tpu.memory_space<vmem_shared>>) offsets(%dma_start3A_150 : memref<128xi32, #tpu.memory_space<vmem>>) semaphore(%arg30 : memref<!tpu.dma_semaphore, #tpu.memory_space<semaphore_mem>>) {add = true}
      %dma_wait3A_154 = arith.constant 5 : i32
      %dma_wait3A_155 = arith.constant 0 : i32
      %dma_wait3A_156 = tpu.memref_slice %arg7[%dma_wait3A_154, %dma_wait3A_155] : memref<8x128xi32, #tpu.memory_space<vmem>> -> memref<1x128xi32, #tpu.memory_space<vmem>>
      %dma_wait3A_157 = tpu.memref_squeeze %dma_wait3A_156 : memref<1x128xi32, #tpu.memory_space<vmem>> -> memref<128xi32, #tpu.memory_space<vmem>>
      %dma_wait3A_158 = arith.constant 0 : i32
      %dma_wait3A_159 = arith.constant 0 : i32
      %dma_wait3A_160 = tpu.memref_slice %arg2[%dma_wait3A_158, %dma_wait3A_159] : memref<50000x32xbf16, #tpu.memory_space<hbm>> -> memref<50000x32xbf16, #tpu.memory_space<hbm>>
      tpu.wait_indirect_dma semaphore(%arg23 : memref<!tpu.dma_semaphore, #tpu.memory_space<semaphore_mem>>) src(%dma_wait3A_160 : memref<50000x32xbf16, #tpu.memory_space<hbm>>) dst(%arg14 : memref<128x32xbf16, #tpu.memory_space<vmem>>)
      %dma_start3A_161 = arith.constant 5 : i32
      %dma_start3A_162 = arith.constant 0 : i32
      %dma_start3A_163 = tpu.memref_slice %arg8[%dma_start3A_161, %dma_start3A_162] : memref<8x128xi32, #tpu.memory_space<vmem>> -> memref<1x128xi32, #tpu.memory_space<vmem>>
      %dma_start3A_164 = tpu.memref_squeeze %dma_start3A_163 : memref<1x128xi32, #tpu.memory_space<vmem>> -> memref<128xi32, #tpu.memory_space<vmem>>
      %dma_start3A_165 = arith.constant 0 : i32
      %dma_start3A_166 = arith.constant 0 : i32
      %dma_start3A_167 = tpu.memref_slice %arg34[%dma_start3A_165, %dma_start3A_166] : memref<50176x32xbf16, #tpu.memory_space<vmem_shared>> -> memref<50176x32xbf16, #tpu.memory_space<vmem_shared>>
      tpu.enqueue_indirect_dma source(%arg14 : memref<128x32xbf16, #tpu.memory_space<vmem>>) target(%dma_start3A_167 : memref<50176x32xbf16, #tpu.memory_space<vmem_shared>>) offsets(%dma_start3A_164 : memref<128xi32, #tpu.memory_space<vmem>>) semaphore(%arg31 : memref<!tpu.dma_semaphore, #tpu.memory_space<semaphore_mem>>) {add = true}
      %dma_wait3A_168 = arith.constant 6 : i32
      %dma_wait3A_169 = arith.constant 0 : i32
      %dma_wait3A_170 = tpu.memref_slice %arg7[%dma_wait3A_168, %dma_wait3A_169] : memref<8x128xi32, #tpu.memory_space<vmem>> -> memref<1x128xi32, #tpu.memory_space<vmem>>
      %dma_wait3A_171 = tpu.memref_squeeze %dma_wait3A_170 : memref<1x128xi32, #tpu.memory_space<vmem>> -> memref<128xi32, #tpu.memory_space<vmem>>
      %dma_wait3A_172 = arith.constant 0 : i32
      %dma_wait3A_173 = arith.constant 0 : i32
      %dma_wait3A_174 = tpu.memref_slice %arg2[%dma_wait3A_172, %dma_wait3A_173] : memref<50000x32xbf16, #tpu.memory_space<hbm>> -> memref<50000x32xbf16, #tpu.memory_space<hbm>>
      tpu.wait_indirect_dma semaphore(%arg24 : memref<!tpu.dma_semaphore, #tpu.memory_space<semaphore_mem>>) src(%dma_wait3A_174 : memref<50000x32xbf16, #tpu.memory_space<hbm>>) dst(%arg15 : memref<128x32xbf16, #tpu.memory_space<vmem>>)
      %dma_start3A_175 = arith.constant 6 : i32
      %dma_start3A_176 = arith.constant 0 : i32
      %dma_start3A_177 = tpu.memref_slice %arg8[%dma_start3A_175, %dma_start3A_176] : memref<8x128xi32, #tpu.memory_space<vmem>> -> memref<1x128xi32, #tpu.memory_space<vmem>>
      %dma_start3A_178 = tpu.memref_squeeze %dma_start3A_177 : memref<1x128xi32, #tpu.memory_space<vmem>> -> memref<128xi32, #tpu.memory_space<vmem>>
      %dma_start3A_179 = arith.constant 0 : i32
      %dma_start3A_180 = arith.constant 0 : i32
      %dma_start3A_181 = tpu.memref_slice %arg34[%dma_start3A_179, %dma_start3A_180] : memref<50176x32xbf16, #tpu.memory_space<vmem_shared>> -> memref<50176x32xbf16, #tpu.memory_space<vmem_shared>>
      tpu.enqueue_indirect_dma source(%arg15 : memref<128x32xbf16, #tpu.memory_space<vmem>>) target(%dma_start3A_181 : memref<50176x32xbf16, #tpu.memory_space<vmem_shared>>) offsets(%dma_start3A_178 : memref<128xi32, #tpu.memory_space<vmem>>) semaphore(%arg32 : memref<!tpu.dma_semaphore, #tpu.memory_space<semaphore_mem>>) {add = true}
      %dma_wait3A_182 = arith.constant 7 : i32
      %dma_wait3A_183 = arith.constant 0 : i32
      %dma_wait3A_184 = tpu.memref_slice %arg7[%dma_wait3A_182, %dma_wait3A_183] : memref<8x128xi32, #tpu.memory_space<vmem>> -> memref<1x128xi32, #tpu.memory_space<vmem>>
      %dma_wait3A_185 = tpu.memref_squeeze %dma_wait3A_184 : memref<1x128xi32, #tpu.memory_space<vmem>> -> memref<128xi32, #tpu.memory_space<vmem>>
      %dma_wait3A_186 = arith.constant 0 : i32
      %dma_wait3A_187 = arith.constant 0 : i32
      %dma_wait3A_188 = tpu.memref_slice %arg2[%dma_wait3A_186, %dma_wait3A_187] : memref<50000x32xbf16, #tpu.memory_space<hbm>> -> memref<50000x32xbf16, #tpu.memory_space<hbm>>
      tpu.wait_indirect_dma semaphore(%arg25 : memref<!tpu.dma_semaphore, #tpu.memory_space<semaphore_mem>>) src(%dma_wait3A_188 : memref<50000x32xbf16, #tpu.memory_space<hbm>>) dst(%arg16 : memref<128x32xbf16, #tpu.memory_space<vmem>>)
      %dma_start3A_189 = arith.constant 7 : i32
      %dma_start3A_190 = arith.constant 0 : i32
      %dma_start3A_191 = tpu.memref_slice %arg8[%dma_start3A_189, %dma_start3A_190] : memref<8x128xi32, #tpu.memory_space<vmem>> -> memref<1x128xi32, #tpu.memory_space<vmem>>
      %dma_start3A_192 = tpu.memref_squeeze %dma_start3A_191 : memref<1x128xi32, #tpu.memory_space<vmem>> -> memref<128xi32, #tpu.memory_space<vmem>>
      %dma_start3A_193 = arith.constant 0 : i32
      %dma_start3A_194 = arith.constant 0 : i32
      %dma_start3A_195 = tpu.memref_slice %arg34[%dma_start3A_193, %dma_start3A_194] : memref<50176x32xbf16, #tpu.memory_space<vmem_shared>> -> memref<50176x32xbf16, #tpu.memory_space<vmem_shared>>
      tpu.enqueue_indirect_dma source(%arg16 : memref<128x32xbf16, #tpu.memory_space<vmem>>) target(%dma_start3A_195 : memref<50176x32xbf16, #tpu.memory_space<vmem_shared>>) offsets(%dma_start3A_192 : memref<128xi32, #tpu.memory_space<vmem>>) semaphore(%arg33 : memref<!tpu.dma_semaphore, #tpu.memory_space<semaphore_mem>>) {add = true}
      %dma_wait3A_196 = arith.constant 0 : i32
      %dma_wait3A_197 = arith.constant 0 : i32
      %dma_wait3A_198 = tpu.memref_slice %arg8[%dma_wait3A_196, %dma_wait3A_197] : memref<8x128xi32, #tpu.memory_space<vmem>> -> memref<1x128xi32, #tpu.memory_space<vmem>>
      %dma_wait3A_199 = tpu.memref_squeeze %dma_wait3A_198 : memref<1x128xi32, #tpu.memory_space<vmem>> -> memref<128xi32, #tpu.memory_space<vmem>>
      %dma_wait3A_200 = arith.constant 0 : i32
      %dma_wait3A_201 = arith.constant 0 : i32
      %dma_wait3A_202 = tpu.memref_slice %arg34[%dma_wait3A_200, %dma_wait3A_201] : memref<50176x32xbf16, #tpu.memory_space<vmem_shared>> -> memref<50176x32xbf16, #tpu.memory_space<vmem_shared>>
      tpu.wait_indirect_dma semaphore(%arg26 : memref<!tpu.dma_semaphore, #tpu.memory_space<semaphore_mem>>) src(%arg9 : memref<128x32xbf16, #tpu.memory_space<vmem>>) dst(%dma_wait3A_202 : memref<50176x32xbf16, #tpu.memory_space<vmem_shared>>)
      %dma_wait3A_203 = arith.constant 1 : i32
      %dma_wait3A_204 = arith.constant 0 : i32
      %dma_wait3A_205 = tpu.memref_slice %arg8[%dma_wait3A_203, %dma_wait3A_204] : memref<8x128xi32, #tpu.memory_space<vmem>> -> memref<1x128xi32, #tpu.memory_space<vmem>>
      %dma_wait3A_206 = tpu.memref_squeeze %dma_wait3A_205 : memref<1x128xi32, #tpu.memory_space<vmem>> -> memref<128xi32, #tpu.memory_space<vmem>>
      %dma_wait3A_207 = arith.constant 0 : i32
      %dma_wait3A_208 = arith.constant 0 : i32
      %dma_wait3A_209 = tpu.memref_slice %arg34[%dma_wait3A_207, %dma_wait3A_208] : memref<50176x32xbf16, #tpu.memory_space<vmem_shared>> -> memref<50176x32xbf16, #tpu.memory_space<vmem_shared>>
      tpu.wait_indirect_dma semaphore(%arg27 : memref<!tpu.dma_semaphore, #tpu.memory_space<semaphore_mem>>) src(%arg10 : memref<128x32xbf16, #tpu.memory_space<vmem>>) dst(%dma_wait3A_209 : memref<50176x32xbf16, #tpu.memory_space<vmem_shared>>)
      %dma_wait3A_210 = arith.constant 2 : i32
      %dma_wait3A_211 = arith.constant 0 : i32
      %dma_wait3A_212 = tpu.memref_slice %arg8[%dma_wait3A_210, %dma_wait3A_211] : memref<8x128xi32, #tpu.memory_space<vmem>> -> memref<1x128xi32, #tpu.memory_space<vmem>>
      %dma_wait3A_213 = tpu.memref_squeeze %dma_wait3A_212 : memref<1x128xi32, #tpu.memory_space<vmem>> -> memref<128xi32, #tpu.memory_space<vmem>>
      %dma_wait3A_214 = arith.constant 0 : i32
      %dma_wait3A_215 = arith.constant 0 : i32
      %dma_wait3A_216 = tpu.memref_slice %arg34[%dma_wait3A_214, %dma_wait3A_215] : memref<50176x32xbf16, #tpu.memory_space<vmem_shared>> -> memref<50176x32xbf16, #tpu.memory_space<vmem_shared>>
      tpu.wait_indirect_dma semaphore(%arg28 : memref<!tpu.dma_semaphore, #tpu.memory_space<semaphore_mem>>) src(%arg11 : memref<128x32xbf16, #tpu.memory_space<vmem>>) dst(%dma_wait3A_216 : memref<50176x32xbf16, #tpu.memory_space<vmem_shared>>)
      %dma_wait3A_217 = arith.constant 3 : i32
      %dma_wait3A_218 = arith.constant 0 : i32
      %dma_wait3A_219 = tpu.memref_slice %arg8[%dma_wait3A_217, %dma_wait3A_218] : memref<8x128xi32, #tpu.memory_space<vmem>> -> memref<1x128xi32, #tpu.memory_space<vmem>>
      %dma_wait3A_220 = tpu.memref_squeeze %dma_wait3A_219 : memref<1x128xi32, #tpu.memory_space<vmem>> -> memref<128xi32, #tpu.memory_space<vmem>>
      %dma_wait3A_221 = arith.constant 0 : i32
      %dma_wait3A_222 = arith.constant 0 : i32
      %dma_wait3A_223 = tpu.memref_slice %arg34[%dma_wait3A_221, %dma_wait3A_222] : memref<50176x32xbf16, #tpu.memory_space<vmem_shared>> -> memref<50176x32xbf16, #tpu.memory_space<vmem_shared>>
      tpu.wait_indirect_dma semaphore(%arg29 : memref<!tpu.dma_semaphore, #tpu.memory_space<semaphore_mem>>) src(%arg12 : memref<128x32xbf16, #tpu.memory_space<vmem>>) dst(%dma_wait3A_223 : memref<50176x32xbf16, #tpu.memory_space<vmem_shared>>)
      %dma_wait3A_224 = arith.constant 4 : i32
      %dma_wait3A_225 = arith.constant 0 : i32
      %dma_wait3A_226 = tpu.memref_slice %arg8[%dma_wait3A_224, %dma_wait3A_225] : memref<8x128xi32, #tpu.memory_space<vmem>> -> memref<1x128xi32, #tpu.memory_space<vmem>>
      %dma_wait3A_227 = tpu.memref_squeeze %dma_wait3A_226 : memref<1x128xi32, #tpu.memory_space<vmem>> -> memref<128xi32, #tpu.memory_space<vmem>>
      %dma_wait3A_228 = arith.constant 0 : i32
      %dma_wait3A_229 = arith.constant 0 : i32
      %dma_wait3A_230 = tpu.memref_slice %arg34[%dma_wait3A_228, %dma_wait3A_229] : memref<50176x32xbf16, #tpu.memory_space<vmem_shared>> -> memref<50176x32xbf16, #tpu.memory_space<vmem_shared>>
      tpu.wait_indirect_dma semaphore(%arg30 : memref<!tpu.dma_semaphore, #tpu.memory_space<semaphore_mem>>) src(%arg13 : memref<128x32xbf16, #tpu.memory_space<vmem>>) dst(%dma_wait3A_230 : memref<50176x32xbf16, #tpu.memory_space<vmem_shared>>)
      %dma_wait3A_231 = arith.constant 5 : i32
      %dma_wait3A_232 = arith.constant 0 : i32
      %dma_wait3A_233 = tpu.memref_slice %arg8[%dma_wait3A_231, %dma_wait3A_232] : memref<8x128xi32, #tpu.memory_space<vmem>> -> memref<1x128xi32, #tpu.memory_space<vmem>>
      %dma_wait3A_234 = tpu.memref_squeeze %dma_wait3A_233 : memref<1x128xi32, #tpu.memory_space<vmem>> -> memref<128xi32, #tpu.memory_space<vmem>>
      %dma_wait3A_235 = arith.constant 0 : i32
      %dma_wait3A_236 = arith.constant 0 : i32
      %dma_wait3A_237 = tpu.memref_slice %arg34[%dma_wait3A_235, %dma_wait3A_236] : memref<50176x32xbf16, #tpu.memory_space<vmem_shared>> -> memref<50176x32xbf16, #tpu.memory_space<vmem_shared>>
      tpu.wait_indirect_dma semaphore(%arg31 : memref<!tpu.dma_semaphore, #tpu.memory_space<semaphore_mem>>) src(%arg14 : memref<128x32xbf16, #tpu.memory_space<vmem>>) dst(%dma_wait3A_237 : memref<50176x32xbf16, #tpu.memory_space<vmem_shared>>)
      %dma_wait3A_238 = arith.constant 6 : i32
      %dma_wait3A_239 = arith.constant 0 : i32
      %dma_wait3A_240 = tpu.memref_slice %arg8[%dma_wait3A_238, %dma_wait3A_239] : memref<8x128xi32, #tpu.memory_space<vmem>> -> memref<1x128xi32, #tpu.memory_space<vmem>>
      %dma_wait3A_241 = tpu.memref_squeeze %dma_wait3A_240 : memref<1x128xi32, #tpu.memory_space<vmem>> -> memref<128xi32, #tpu.memory_space<vmem>>
      %dma_wait3A_242 = arith.constant 0 : i32
      %dma_wait3A_243 = arith.constant 0 : i32
      %dma_wait3A_244 = tpu.memref_slice %arg34[%dma_wait3A_242, %dma_wait3A_243] : memref<50176x32xbf16, #tpu.memory_space<vmem_shared>> -> memref<50176x32xbf16, #tpu.memory_space<vmem_shared>>
      tpu.wait_indirect_dma semaphore(%arg32 : memref<!tpu.dma_semaphore, #tpu.memory_space<semaphore_mem>>) src(%arg15 : memref<128x32xbf16, #tpu.memory_space<vmem>>) dst(%dma_wait3A_244 : memref<50176x32xbf16, #tpu.memory_space<vmem_shared>>)
      %dma_wait3A_245 = arith.constant 7 : i32
      %dma_wait3A_246 = arith.constant 0 : i32
      %dma_wait3A_247 = tpu.memref_slice %arg8[%dma_wait3A_245, %dma_wait3A_246] : memref<8x128xi32, #tpu.memory_space<vmem>> -> memref<1x128xi32, #tpu.memory_space<vmem>>
      %dma_wait3A_248 = tpu.memref_squeeze %dma_wait3A_247 : memref<1x128xi32, #tpu.memory_space<vmem>> -> memref<128xi32, #tpu.memory_space<vmem>>
      %dma_wait3A_249 = arith.constant 0 : i32
      %dma_wait3A_250 = arith.constant 0 : i32
      %dma_wait3A_251 = tpu.memref_slice %arg34[%dma_wait3A_249, %dma_wait3A_250] : memref<50176x32xbf16, #tpu.memory_space<vmem_shared>> -> memref<50176x32xbf16, #tpu.memory_space<vmem_shared>>
      tpu.wait_indirect_dma semaphore(%arg33 : memref<!tpu.dma_semaphore, #tpu.memory_space<semaphore_mem>>) src(%arg16 : memref<128x32xbf16, #tpu.memory_space<vmem>>) dst(%dma_wait3A_251 : memref<50176x32xbf16, #tpu.memory_space<vmem_shared>>)
      %scan3A_252 = arith.constant 0 : i32
      scf.yield %scan3A_252 : i32
    }
    %scan3A_15 = arith.constant 10 : i32
    %barrier3A_16 = arith.constant 0 : index
    tpu.barrier barrier_id(%barrier3A_16)
    %scan3A_17 = arith.constant 0 : i32
    %scan3A_18 = arith.constant 0 : i32
    %scan3A_19 = arith.constant 8 : i32
    %scan3A_20 = arith.addi %scan3A_18, %scan3A_19 : i32
    %scan3A_21 = arith.constant 1 : i32
    %scan3A_22 = scf.for %scan3A_25 = %scan3A_18 to %scan3A_20 step %scan3A_21 iter_args(%scan3A_26 = %scan3A_17) -> (i32)  : i32 {
      %mul3A_27 = arith.constant 3136 : i32
      %mul3A_28 = arith.muli %arg1, %mul3A_27 : i32
      %mul3A_29 = arith.constant 392 : i32
      %mul3A_30 = arith.muli %scan3A_25, %mul3A_29 : i32
      %add3A_31 = arith.addi %mul3A_28, %mul3A_30 : i32
      %multiple_of3A = tpu.assume_multiple %add3A_31, 8 : i32
      "tpu.region"() ({
        %run_scoped3A = tpu.sem_alloc : memref<!tpu.dma_semaphore, #tpu.memory_space<semaphore_mem>>
        %dma_start3A = arith.constant 0 : i32
        %dma_start3A_33 = tpu.memref_slice %arg34[%multiple_of3A, %dma_start3A] : memref<50176x32xbf16, #tpu.memory_space<vmem_shared>> -> memref<392x32xbf16, #tpu.memory_space<vmem_shared>>
        %dma_start3A_34 = arith.constant 0 : i32
        %dma_start3A_35 = tpu.memref_slice %arg34[%multiple_of3A, %dma_start3A_34] : memref<50176x32xbf16, #tpu.memory_space<vmem_shared>> -> memref<392x32xbf16, #tpu.memory_space<vmem_shared>>
        tpu.enqueue_dma source(%dma_start3A_35 : memref<392x32xbf16, #tpu.memory_space<vmem_shared>>) target(%arg17 : memref<392x32xbf16, #tpu.memory_space<vmem>>) target_semaphore(%run_scoped3A : memref<!tpu.dma_semaphore, #tpu.memory_space<semaphore_mem>>)
        %dma_wait3A = arith.constant 0 : i32
        %dma_wait3A_36 = tpu.memref_slice %arg34[%multiple_of3A, %dma_wait3A] : memref<50176x32xbf16, #tpu.memory_space<vmem_shared>> -> memref<392x32xbf16, #tpu.memory_space<vmem_shared>>
        %dma_wait3A_37 = arith.constant 0 : i32
        %dma_wait3A_38 = tpu.memref_slice %arg34[%multiple_of3A, %dma_wait3A_37] : memref<50176x32xbf16, #tpu.memory_space<vmem_shared>> -> memref<392x32xbf16, #tpu.memory_space<vmem_shared>>
        tpu.wait_dma2 semaphore(%run_scoped3A : memref<!tpu.dma_semaphore, #tpu.memory_space<semaphore_mem>>) src(%dma_wait3A_38 : memref<392x32xbf16, #tpu.memory_space<vmem_shared>>) dst(%arg17 : memref<392x32xbf16, #tpu.memory_space<vmem>>)
        tpu.yield
      }) : () -> ()
      "tpu.region"() ({
        %run_scoped3A = tpu.sem_alloc : memref<!tpu.dma_semaphore, #tpu.memory_space<semaphore_mem>>
        %dma_start3A = arith.constant 0 : i32
        %dma_start3A_33 = tpu.memref_slice %arg6[%arg0, %multiple_of3A, %dma_start3A] : memref<2x50176x32xbf16, #tpu.memory_space<hbm>> -> memref<1x392x32xbf16, #tpu.memory_space<hbm>>
        %dma_start3A_34 = tpu.memref_squeeze %dma_start3A_33 : memref<1x392x32xbf16, #tpu.memory_space<hbm>> -> memref<392x32xbf16, #tpu.memory_space<hbm>>
        %dma_start3A_35 = arith.constant 0 : i32
        %dma_start3A_36 = tpu.memref_slice %arg6[%arg0, %multiple_of3A, %dma_start3A_35] : memref<2x50176x32xbf16, #tpu.memory_space<hbm>> -> memref<1x392x32xbf16, #tpu.memory_space<hbm>>
        %dma_start3A_37 = tpu.memref_squeeze %dma_start3A_36 : memref<1x392x32xbf16, #tpu.memory_space<hbm>> -> memref<392x32xbf16, #tpu.memory_space<hbm>>
        tpu.enqueue_dma source(%arg17 : memref<392x32xbf16, #tpu.memory_space<vmem>>) target(%dma_start3A_37 : memref<392x32xbf16, #tpu.memory_space<hbm>>) target_semaphore(%run_scoped3A : memref<!tpu.dma_semaphore, #tpu.memory_space<semaphore_mem>>)
        %dma_wait3A = arith.constant 0 : i32
        %dma_wait3A_38 = tpu.memref_slice %arg6[%arg0, %multiple_of3A, %dma_wait3A] : memref<2x50176x32xbf16, #tpu.memory_space<hbm>> -> memref<1x392x32xbf16, #tpu.memory_space<hbm>>
        %dma_wait3A_39 = tpu.memref_squeeze %dma_wait3A_38 : memref<1x392x32xbf16, #tpu.memory_space<hbm>> -> memref<392x32xbf16, #tpu.memory_space<hbm>>
        %dma_wait3A_40 = arith.constant 0 : i32
        %dma_wait3A_41 = tpu.memref_slice %arg6[%arg0, %multiple_of3A, %dma_wait3A_40] : memref<2x50176x32xbf16, #tpu.memory_space<hbm>> -> memref<1x392x32xbf16, #tpu.memory_space<hbm>>
        %dma_wait3A_42 = tpu.memref_squeeze %dma_wait3A_41 : memref<1x392x32xbf16, #tpu.memory_space<hbm>> -> memref<392x32xbf16, #tpu.memory_space<hbm>>
        tpu.wait_dma2 semaphore(%run_scoped3A : memref<!tpu.dma_semaphore, #tpu.memory_space<semaphore_mem>>) src(%arg17 : memref<392x32xbf16, #tpu.memory_space<vmem>>) dst(%dma_wait3A_42 : memref<392x32xbf16, #tpu.memory_space<hbm>>)
        tpu.yield
      }) : () -> ()
      %scan3A_32 = arith.constant 0 : i32
      scf.yield %scan3A_32 : i32
    }
    %scan3A_23 = arith.constant 8 : i32
    %barrier3A_24 = arith.constant 0 : index
    tpu.barrier barrier_id(%barrier3A_24)
    return
  }
}

#map = affine_map<(d0, d1) -> (0)>
#map1 = affine_map<(d0, d1) -> (0, 0)>
module attributes {stable_mosaic.version = 14 : i64} {
  func.func @_counts_body(%arg0: i32, %arg1: i32, %arg2: memref<327680xi32, #tpu.memory_space<hbm>>, %arg3: memref<327680xi32, #tpu.memory_space<hbm>>, %arg4: memref<327680xi32, #tpu.memory_space<hbm>>, %arg5: memref<2560x128xi32, #tpu.memory_space<hbm>>, %arg6: memref<2560x128xi32, #tpu.memory_space<hbm>>, %arg7: memref<100352xf32, #tpu.memory_space<hbm>>, %arg8: memref<100352xf32, #tpu.memory_space<hbm>>, %arg9: memref<1024xi32, #tpu.memory_space<vmem>>, %arg10: memref<1024xi32, #tpu.memory_space<vmem>>, %arg11: memref<1024xi32, #tpu.memory_space<vmem>>, %arg12: memref<8x128xi32, #tpu.memory_space<vmem>>, %arg13: memref<8x128xi32, #tpu.memory_space<vmem>>, %arg14: memref<8x128xi32, #tpu.memory_space<vmem>>, %arg15: memref<8x128xi32, #tpu.memory_space<vmem>>, %arg16: memref<128xf32, #tpu.memory_space<vmem>>, %arg17: memref<3136xf32, #tpu.memory_space<vmem>>, %arg18: memref<50176xf32, #tpu.memory_space<vmem_shared>>, %arg19: memref<50176xf32, #tpu.memory_space<vmem_shared>>) attributes {dimension_semantics = [#tpu.dimension_semantics<core_parallel>, #tpu.dimension_semantics<subcore_parallel>], iteration_bounds = array<i64: 2, 16>, scalar_prefetch = 0 : i64, scratch_operands = 11 : i64, tpu.core_type = #tpu.core_type<sc_vector_subcore>, window_params = [{transform_indices = #map}, {transform_indices = #map}, {transform_indices = #map}, {transform_indices = #map1}, {transform_indices = #map1}, {transform_indices = #map}, {transform_indices = #map}]} {
    %mul3A = arith.constant 16 : i32
    %mul3A_0 = arith.muli %arg0, %mul3A : i32
    %add3A = arith.addi %mul3A_0, %arg1 : i32
    %broadcast_in_dim3A = arith.constant 0.000000e+00 : f32
    %broadcast_in_dim3A_1 = vector.broadcast %broadcast_in_dim3A : f32 to vector<16xf32>
    %scan3A = arith.constant 0 : i32
    %scan3A_2 = arith.constant 0 : i32
    %scan3A_3 = arith.constant 196 : i32
    %scan3A_4 = arith.addi %scan3A_2, %scan3A_3 : i32
    %scan3A_5 = arith.constant 1 : i32
    %scan3A_6 = scf.for %scan3A_35 = %scan3A_2 to %scan3A_4 step %scan3A_5 iter_args(%scan3A_36 = %scan3A) -> (i32)  : i32 {
      %mul3A_37 = arith.constant 16 : i32
      %mul3A_38 = arith.muli %scan3A_35, %mul3A_37 : i32
      %swap3A = arith.index_cast %mul3A_38 : i32 to index
      %swap3A_39 = tpu.vector_load %arg17[%swap3A] {strides = array<i32>} : memref<3136xf32, #tpu.memory_space<vmem>>, vector<16xf32>,
      %swap3A_40 = vector.shape_cast %swap3A_39 : vector<16xf32> to vector<16xf32>
      %swap3A_41 = vector.shape_cast %broadcast_in_dim3A_1 : vector<16xf32> to vector<16xf32>
      tpu.vector_store %arg17[%swap3A], %swap3A_41 {strides = array<i32>} : memref<3136xf32, #tpu.memory_space<vmem>>, vector<16xf32>,
      %scan3A_42 = arith.constant 0 : i32
      scf.yield %scan3A_42 : i32
    }
    %scan3A_7 = arith.constant 196 : i32
    %broadcast_in_dim3A_8 = arith.constant 1.000000e+00 : f32
    %broadcast_in_dim3A_9 = vector.broadcast %broadcast_in_dim3A_8 : f32 to vector<16xf32>
    %scan3A_10 = arith.constant 0 : i32
    %scan3A_11 = arith.constant 0 : i32
    %scan3A_12 = arith.constant 8 : i32
    %scan3A_13 = arith.addi %scan3A_11, %scan3A_12 : i32
    %scan3A_14 = arith.constant 1 : i32
    %scan3A_15 = scf.for %scan3A_35 = %scan3A_11 to %scan3A_13 step %scan3A_14 iter_args(%scan3A_36 = %scan3A_10) -> (i32)  : i32 {
      %mul3A_37 = arith.constant 16 : i32
      %mul3A_38 = arith.muli %scan3A_35, %mul3A_37 : i32
      %swap3A = arith.index_cast %mul3A_38 : i32 to index
      %swap3A_39 = tpu.vector_load %arg16[%swap3A] {strides = array<i32>} : memref<128xf32, #tpu.memory_space<vmem>>, vector<16xf32>,
      %swap3A_40 = vector.shape_cast %swap3A_39 : vector<16xf32> to vector<16xf32>
      %swap3A_41 = vector.shape_cast %broadcast_in_dim3A_9 : vector<16xf32> to vector<16xf32>
      tpu.vector_store %arg16[%swap3A], %swap3A_41 {strides = array<i32>} : memref<128xf32, #tpu.memory_space<vmem>>, vector<16xf32>,
      %scan3A_42 = arith.constant 0 : i32
      scf.yield %scan3A_42 : i32
    }
    %scan3A_16 = arith.constant 8 : i32
    %mul3A_17 = arith.constant 3136 : i32
    %mul3A_18 = arith.muli %arg1, %mul3A_17 : i32
    %multiple_of3A = tpu.assume_multiple %mul3A_18, 8 : i32
    "tpu.region"() ({
      %run_scoped3A = tpu.sem_alloc : memref<!tpu.dma_semaphore, #tpu.memory_space<semaphore_mem>>
      %dma_start3A = tpu.memref_slice %arg18[%multiple_of3A] : memref<50176xf32, #tpu.memory_space<vmem_shared>> -> memref<3136xf32, #tpu.memory_space<vmem_shared>>
      %dma_start3A_35 = tpu.memref_slice %arg18[%multiple_of3A] : memref<50176xf32, #tpu.memory_space<vmem_shared>> -> memref<3136xf32, #tpu.memory_space<vmem_shared>>
      tpu.enqueue_dma source(%arg17 : memref<3136xf32, #tpu.memory_space<vmem>>) target(%dma_start3A_35 : memref<3136xf32, #tpu.memory_space<vmem_shared>>) target_semaphore(%run_scoped3A : memref<!tpu.dma_semaphore, #tpu.memory_space<semaphore_mem>>)
      %dma_wait3A = tpu.memref_slice %arg18[%multiple_of3A] : memref<50176xf32, #tpu.memory_space<vmem_shared>> -> memref<3136xf32, #tpu.memory_space<vmem_shared>>
      %dma_wait3A_36 = tpu.memref_slice %arg18[%multiple_of3A] : memref<50176xf32, #tpu.memory_space<vmem_shared>> -> memref<3136xf32, #tpu.memory_space<vmem_shared>>
      tpu.wait_dma2 semaphore(%run_scoped3A : memref<!tpu.dma_semaphore, #tpu.memory_space<semaphore_mem>>) src(%arg17 : memref<3136xf32, #tpu.memory_space<vmem>>) dst(%dma_wait3A_36 : memref<3136xf32, #tpu.memory_space<vmem_shared>>)
      tpu.yield
    }) : () -> ()
    "tpu.region"() ({
      %run_scoped3A = tpu.sem_alloc : memref<!tpu.dma_semaphore, #tpu.memory_space<semaphore_mem>>
      %dma_start3A = tpu.memref_slice %arg19[%multiple_of3A] : memref<50176xf32, #tpu.memory_space<vmem_shared>> -> memref<3136xf32, #tpu.memory_space<vmem_shared>>
      %dma_start3A_35 = tpu.memref_slice %arg19[%multiple_of3A] : memref<50176xf32, #tpu.memory_space<vmem_shared>> -> memref<3136xf32, #tpu.memory_space<vmem_shared>>
      tpu.enqueue_dma source(%arg17 : memref<3136xf32, #tpu.memory_space<vmem>>) target(%dma_start3A_35 : memref<3136xf32, #tpu.memory_space<vmem_shared>>) target_semaphore(%run_scoped3A : memref<!tpu.dma_semaphore, #tpu.memory_space<semaphore_mem>>)
      %dma_wait3A = tpu.memref_slice %arg19[%multiple_of3A] : memref<50176xf32, #tpu.memory_space<vmem_shared>> -> memref<3136xf32, #tpu.memory_space<vmem_shared>>
      %dma_wait3A_36 = tpu.memref_slice %arg19[%multiple_of3A] : memref<50176xf32, #tpu.memory_space<vmem_shared>> -> memref<3136xf32, #tpu.memory_space<vmem_shared>>
      tpu.wait_dma2 semaphore(%run_scoped3A : memref<!tpu.dma_semaphore, #tpu.memory_space<semaphore_mem>>) src(%arg17 : memref<3136xf32, #tpu.memory_space<vmem>>) dst(%dma_wait3A_36 : memref<3136xf32, #tpu.memory_space<vmem_shared>>)
      tpu.yield
    }) : () -> ()
    %barrier3A = arith.constant 0 : index
    tpu.barrier barrier_id(%barrier3A)
    %mul3A_19 = arith.constant 10240 : i32
    %mul3A_20 = arith.muli %add3A, %mul3A_19 : i32
    %iota3A = tpu.iota {dimensions = array<i32: 0>} : vector<16xi32>
    %scan3A_21 = arith.constant 0 : i32
    %scan3A_22 = arith.constant 0 : i32
    %scan3A_23 = arith.constant 10 : i32
    %scan3A_24 = arith.addi %scan3A_22, %scan3A_23 : i32
    %scan3A_25 = arith.constant 1 : i32
    %scan3A_26 = scf.for %scan3A_35 = %scan3A_22 to %scan3A_24 step %scan3A_25 iter_args(%scan3A_36 = %scan3A_21) -> (i32)  : i32 {
      %mul3A_37 = arith.constant 1024 : i32
      %mul3A_38 = arith.muli %scan3A_35, %mul3A_37 : i32
      %add3A_39 = arith.addi %mul3A_20, %mul3A_38 : i32
      %multiple_of3A_40 = tpu.assume_multiple %add3A_39, 8 : i32
      "tpu.region"() ({
        %run_scoped3A = tpu.sem_alloc : memref<!tpu.dma_semaphore, #tpu.memory_space<semaphore_mem>>
        %dma_start3A = tpu.memref_slice %arg2[%multiple_of3A_40] : memref<327680xi32, #tpu.memory_space<hbm>> -> memref<1024xi32, #tpu.memory_space<hbm>>
        %dma_start3A_73 = tpu.memref_slice %arg2[%multiple_of3A_40] : memref<327680xi32, #tpu.memory_space<hbm>> -> memref<1024xi32, #tpu.memory_space<hbm>>
        tpu.enqueue_dma source(%dma_start3A_73 : memref<1024xi32, #tpu.memory_space<hbm>>) target(%arg9 : memref<1024xi32, #tpu.memory_space<vmem>>) target_semaphore(%run_scoped3A : memref<!tpu.dma_semaphore, #tpu.memory_space<semaphore_mem>>)
        %dma_wait3A = tpu.memref_slice %arg2[%multiple_of3A_40] : memref<327680xi32, #tpu.memory_space<hbm>> -> memref<1024xi32, #tpu.memory_space<hbm>>
        %dma_wait3A_74 = tpu.memref_slice %arg2[%multiple_of3A_40] : memref<327680xi32, #tpu.memory_space<hbm>> -> memref<1024xi32, #tpu.memory_space<hbm>>
        tpu.wait_dma2 semaphore(%run_scoped3A : memref<!tpu.dma_semaphore, #tpu.memory_space<semaphore_mem>>) src(%dma_wait3A_74 : memref<1024xi32, #tpu.memory_space<hbm>>) dst(%arg9 : memref<1024xi32, #tpu.memory_space<vmem>>)
        tpu.yield
      }) : () -> ()
      "tpu.region"() ({
        %run_scoped3A = tpu.sem_alloc : memref<!tpu.dma_semaphore, #tpu.memory_space<semaphore_mem>>
        %dma_start3A = tpu.memref_slice %arg3[%multiple_of3A_40] : memref<327680xi32, #tpu.memory_space<hbm>> -> memref<1024xi32, #tpu.memory_space<hbm>>
        %dma_start3A_73 = tpu.memref_slice %arg3[%multiple_of3A_40] : memref<327680xi32, #tpu.memory_space<hbm>> -> memref<1024xi32, #tpu.memory_space<hbm>>
        tpu.enqueue_dma source(%dma_start3A_73 : memref<1024xi32, #tpu.memory_space<hbm>>) target(%arg10 : memref<1024xi32, #tpu.memory_space<vmem>>) target_semaphore(%run_scoped3A : memref<!tpu.dma_semaphore, #tpu.memory_space<semaphore_mem>>)
        %dma_wait3A = tpu.memref_slice %arg3[%multiple_of3A_40] : memref<327680xi32, #tpu.memory_space<hbm>> -> memref<1024xi32, #tpu.memory_space<hbm>>
        %dma_wait3A_74 = tpu.memref_slice %arg3[%multiple_of3A_40] : memref<327680xi32, #tpu.memory_space<hbm>> -> memref<1024xi32, #tpu.memory_space<hbm>>
        tpu.wait_dma2 semaphore(%run_scoped3A : memref<!tpu.dma_semaphore, #tpu.memory_space<semaphore_mem>>) src(%dma_wait3A_74 : memref<1024xi32, #tpu.memory_space<hbm>>) dst(%arg10 : memref<1024xi32, #tpu.memory_space<vmem>>)
        tpu.yield
      }) : () -> ()
      "tpu.region"() ({
        %run_scoped3A = tpu.sem_alloc : memref<!tpu.dma_semaphore, #tpu.memory_space<semaphore_mem>>
        %dma_start3A = tpu.memref_slice %arg4[%multiple_of3A_40] : memref<327680xi32, #tpu.memory_space<hbm>> -> memref<1024xi32, #tpu.memory_space<hbm>>
        %dma_start3A_73 = tpu.memref_slice %arg4[%multiple_of3A_40] : memref<327680xi32, #tpu.memory_space<hbm>> -> memref<1024xi32, #tpu.memory_space<hbm>>
        tpu.enqueue_dma source(%dma_start3A_73 : memref<1024xi32, #tpu.memory_space<hbm>>) target(%arg11 : memref<1024xi32, #tpu.memory_space<vmem>>) target_semaphore(%run_scoped3A : memref<!tpu.dma_semaphore, #tpu.memory_space<semaphore_mem>>)
        %dma_wait3A = tpu.memref_slice %arg4[%multiple_of3A_40] : memref<327680xi32, #tpu.memory_space<hbm>> -> memref<1024xi32, #tpu.memory_space<hbm>>
        %dma_wait3A_74 = tpu.memref_slice %arg4[%multiple_of3A_40] : memref<327680xi32, #tpu.memory_space<hbm>> -> memref<1024xi32, #tpu.memory_space<hbm>>
        tpu.wait_dma2 semaphore(%run_scoped3A : memref<!tpu.dma_semaphore, #tpu.memory_space<semaphore_mem>>) src(%dma_wait3A_74 : memref<1024xi32, #tpu.memory_space<hbm>>) dst(%arg11 : memref<1024xi32, #tpu.memory_space<vmem>>)
        tpu.yield
      }) : () -> ()
      %scan3A_41 = arith.constant 0 : i32
      %scan3A_42 = arith.constant 0 : i32
      %scan3A_43 = arith.constant 8 : i32
      %scan3A_44 = arith.addi %scan3A_42, %scan3A_43 : i32
      %scan3A_45 = arith.constant 1 : i32
      %scan3A_46 = scf.for %scan3A_73 = %scan3A_42 to %scan3A_44 step %scan3A_45 iter_args(%scan3A_74 = %scan3A_41) -> (i32)  : i32 {
        %scan3A_75 = arith.constant 0 : i32
        %scan3A_76 = arith.constant 0 : i32
        %scan3A_77 = arith.constant 8 : i32
        %scan3A_78 = arith.addi %scan3A_76, %scan3A_77 : i32
        %scan3A_79 = arith.constant 1 : i32
        %scan3A_80 = scf.for %scan3A_83 = %scan3A_76 to %scan3A_78 step %scan3A_79 iter_args(%scan3A_84 = %scan3A_75) -> (i32)  : i32 {
          %mul3A_85 = arith.constant 128 : i32
          %mul3A_86 = arith.muli %scan3A_73, %mul3A_85 : i32
          %mul3A_87 = arith.constant 16 : i32
          %mul3A_88 = arith.muli %scan3A_83, %mul3A_87 : i32
          %add3A_89 = arith.addi %mul3A_86, %mul3A_88 : i32
          %get3A = arith.index_cast %add3A_89 : i32 to index
          %get3A_90 = tpu.vector_load %arg11[%get3A] {strides = array<i32>} : memref<1024xi32, #tpu.memory_space<vmem>>, vector<16xi32>,
          %get3A_91 = vector.shape_cast %get3A_90 : vector<16xi32> to vector<16xi32>
          %get3A_92 = arith.index_cast %add3A_89 : i32 to index
          %get3A_93 = tpu.vector_load %arg9[%get3A_92] {strides = array<i32>} : memref<1024xi32, #tpu.memory_space<vmem>>, vector<16xi32>,
          %get3A_94 = vector.shape_cast %get3A_93 : vector<16xi32> to vector<16xi32>
          %get3A_95 = arith.index_cast %add3A_89 : i32 to index
          %get3A_96 = tpu.vector_load %arg10[%get3A_95] {strides = array<i32>} : memref<1024xi32, #tpu.memory_space<vmem>>, vector<16xi32>,
          %get3A_97 = vector.shape_cast %get3A_96 : vector<16xi32> to vector<16xi32>
          %min3A = arith.constant 4 : i32
          %min3A_98 = vector.broadcast %min3A : i32 to vector<16xi32>
          %min3A_99 = arith.minsi %get3A_91, %min3A_98 : vector<16xi32>
          %mul3A_100 = arith.constant 10000 : i32
          %mul3A_101 = vector.broadcast %mul3A_100 : i32 to vector<16xi32>
          %mul3A_102 = arith.muli %min3A_99, %mul3A_101 : vector<16xi32>
          %add3A_103 = arith.addi %mul3A_102, %get3A_94 : vector<16xi32>
          %mul3A_104 = arith.constant 10000 : i32
          %mul3A_105 = vector.broadcast %mul3A_104 : i32 to vector<16xi32>
          %mul3A_106 = arith.muli %min3A_99, %mul3A_105 : vector<16xi32>
          %add3A_107 = arith.addi %mul3A_106, %get3A_97 : vector<16xi32>
          %add3A_108 = arith.addi %get3A_94, %iota3A : vector<16xi32>
          %and3A_109 = arith.constant 127 : i32
          %and3A_110 = vector.broadcast %and3A_109 : i32 to vector<16xi32>
          %and3A_111 = arith.andi %add3A_108, %and3A_110 : vector<16xi32>
          %add3A_112 = arith.constant 50000 : i32
          %add3A_113 = vector.broadcast %add3A_112 : i32 to vector<16xi32>
          %add3A_114 = arith.addi %add3A_113, %and3A_111 : vector<16xi32>
          %lt3A = arith.constant 5 : i32
          %lt3A_115 = vector.broadcast %lt3A : i32 to vector<16xi32>
          %lt3A_116 = arith.cmpi slt, %get3A_91, %lt3A_115 : vector<16xi32>
          %mul3A_117 = arith.constant 16 : i32
          %mul3A_118 = arith.muli %scan3A_83, %mul3A_117 : i32
          %swap3A = arith.index_cast %scan3A_73 : i32 to index
          %swap3A_119 = arith.index_cast %mul3A_118 : i32 to index
          %swap3A_120 = tpu.vector_load %arg12[%swap3A, %swap3A_119] {strides = array<i32>} : memref<8x128xi32, #tpu.memory_space<vmem>>, vector<1x16xi32>,
          %swap3A_121 = vector.shape_cast %swap3A_120 : vector<1x16xi32> to vector<16xi32>
          %swap3A_122 = vector.shape_cast %add3A_103 : vector<16xi32> to vector<1x16xi32>
          tpu.vector_store %arg12[%swap3A, %swap3A_119], %swap3A_122 {strides = array<i32>} : memref<8x128xi32, #tpu.memory_space<vmem>>, vector<1x16xi32>,
          %select_n3A_123 = arith.select %lt3A_116, %add3A_107, %add3A_114 : vector<16xi1>, vector<16xi32>
          %swap3A_124 = arith.index_cast %scan3A_73 : i32 to index
          %swap3A_125 = arith.index_cast %mul3A_118 : i32 to index
          %swap3A_126 = tpu.vector_load %arg13[%swap3A_124, %swap3A_125] {strides = array<i32>} : memref<8x128xi32, #tpu.memory_space<vmem>>, vector<1x16xi32>,
          %swap3A_127 = vector.shape_cast %swap3A_126 : vector<1x16xi32> to vector<16xi32>
          %swap3A_128 = vector.shape_cast %select_n3A_123 : vector<16xi32> to vector<1x16xi32>
          tpu.vector_store %arg13[%swap3A_124, %swap3A_125], %swap3A_128 {strides = array<i32>} : memref<8x128xi32, #tpu.memory_space<vmem>>, vector<1x16xi32>,
          %mul3A_129 = arith.constant 11 : i32
          %mul3A_130 = vector.broadcast %mul3A_129 : i32 to vector<16xi32>
          %mul3A_131 = arith.muli %iota3A, %mul3A_130 : vector<16xi32>
          %add3A_132 = arith.addi %mul3A_131, %get3A_94 : vector<16xi32>
          %add3A_133 = arith.addi %add3A_132, %get3A_97 : vector<16xi32>
          %and3A_134 = arith.constant 127 : i32
          %and3A_135 = vector.broadcast %and3A_134 : i32 to vector<16xi32>
          %and3A_136 = arith.andi %add3A_133, %and3A_135 : vector<16xi32>
          %mul3A_137 = arith.constant 10000 : i32
          %mul3A_138 = vector.broadcast %mul3A_137 : i32 to vector<16xi32>
          %mul3A_139 = arith.muli %get3A_91, %mul3A_138 : vector<16xi32>
          %add3A_140 = arith.addi %mul3A_139, %get3A_94 : vector<16xi32>
          %add3A_141 = arith.constant 50000 : i32
          %add3A_142 = vector.broadcast %add3A_141 : i32 to vector<16xi32>
          %add3A_143 = arith.addi %add3A_142, %and3A_136 : vector<16xi32>
          %select_n3A_144 = arith.select %lt3A_116, %add3A_140, %add3A_143 : vector<16xi1>, vector<16xi32>
          %swap3A_145 = arith.index_cast %scan3A_73 : i32 to index
          %swap3A_146 = arith.index_cast %mul3A_118 : i32 to index
          %swap3A_147 = tpu.vector_load %arg14[%swap3A_145, %swap3A_146] {strides = array<i32>} : memref<8x128xi32, #tpu.memory_space<vmem>>, vector<1x16xi32>,
          %swap3A_148 = vector.shape_cast %swap3A_147 : vector<1x16xi32> to vector<16xi32>
          %swap3A_149 = vector.shape_cast %select_n3A_144 : vector<16xi32> to vector<1x16xi32>
          tpu.vector_store %arg14[%swap3A_145, %swap3A_146], %swap3A_149 {strides = array<i32>} : memref<8x128xi32, #tpu.memory_space<vmem>>, vector<1x16xi32>,
          %mul3A_150 = arith.constant 10000 : i32
          %mul3A_151 = vector.broadcast %mul3A_150 : i32 to vector<16xi32>
          %mul3A_152 = arith.muli %get3A_91, %mul3A_151 : vector<16xi32>
          %add3A_153 = arith.addi %mul3A_152, %get3A_97 : vector<16xi32>
          %add3A_154 = arith.constant 50000 : i32
          %add3A_155 = vector.broadcast %add3A_154 : i32 to vector<16xi32>
          %add3A_156 = arith.addi %add3A_155, %and3A_136 : vector<16xi32>
          %select_n3A_157 = arith.select %lt3A_116, %add3A_153, %add3A_156 : vector<16xi1>, vector<16xi32>
          %swap3A_158 = arith.index_cast %scan3A_73 : i32 to index
          %swap3A_159 = arith.index_cast %mul3A_118 : i32 to index
          %swap3A_160 = tpu.vector_load %arg15[%swap3A_158, %swap3A_159] {strides = array<i32>} : memref<8x128xi32, #tpu.memory_space<vmem>>, vector<1x16xi32>,
          %swap3A_161 = vector.shape_cast %swap3A_160 : vector<1x16xi32> to vector<16xi32>
          %swap3A_162 = vector.shape_cast %select_n3A_157 : vector<16xi32> to vector<1x16xi32>
          tpu.vector_store %arg15[%swap3A_158, %swap3A_159], %swap3A_162 {strides = array<i32>} : memref<8x128xi32, #tpu.memory_space<vmem>>, vector<1x16xi32>,
          %scan3A_163 = arith.constant 0 : i32
          scf.yield %scan3A_163 : i32
        }
        %scan3A_81 = arith.constant 8 : i32
        %scan3A_82 = arith.constant 0 : i32
        scf.yield %scan3A_82 : i32
      }
      %scan3A_47 = arith.constant 8 : i32
      %jit3A = arith.constant 128 : i32
      %div3A = arith.divsi %multiple_of3A_40, %jit3A : i32
      %sign3A = arith.constant 0 : i32
      %sign3A_48 = arith.cmpi sgt, %multiple_of3A_40, %sign3A : i32
      %sign3A_49 = arith.extui %sign3A_48 : i1 to i32
      %sign3A_50 = arith.constant 0 : i32
      %sign3A_51 = arith.cmpi slt, %multiple_of3A_40, %sign3A_50 : i32
      %sign3A_52 = arith.extui %sign3A_51 : i1 to i32
      %sign3A_53 = arith.subi %sign3A_49, %sign3A_52 : i32
      %sign3A_54 = arith.constant 0 : i32
      %sign3A_55 = arith.cmpi sgt, %jit3A, %sign3A_54 : i32
      %sign3A_56 = arith.extui %sign3A_55 : i1 to i32
      %sign3A_57 = arith.constant 0 : i32
      %sign3A_58 = arith.cmpi slt, %jit3A, %sign3A_57 : i32
      %sign3A_59 = arith.extui %sign3A_58 : i1 to i32
      %sign3A_60 = arith.subi %sign3A_56, %sign3A_59 : i32
      %ne3A = arith.cmpi ne, %sign3A_53, %sign3A_60 : i32
      %rem3A = arith.remsi %multiple_of3A_40, %jit3A : i32
      %ne3A_61 = arith.constant 0 : i32
      %ne3A_62 = arith.cmpi ne, %rem3A, %ne3A_61 : i32
      %and3A = arith.andi %ne3A, %ne3A_62 : i1
      %sub3A = arith.constant 1 : i32
      %sub3A_63 = arith.subi %div3A, %sub3A : i32
      %select_n3A = arith.select %and3A, %sub3A_63, %div3A : i32
      %multiple_of3A_64 = tpu.assume_multiple %select_n3A, 8 : i32
      "tpu.region"() ({
        %run_scoped3A = tpu.sem_alloc : memref<!tpu.dma_semaphore, #tpu.memory_space<semaphore_mem>>
        %dma_start3A = arith.constant 0 : i32
        %dma_start3A_73 = tpu.memref_slice %arg5[%multiple_of3A_64, %dma_start3A] : memref<2560x128xi32, #tpu.memory_space<hbm>> -> memref<8x128xi32, #tpu.memory_space<hbm>>
        %dma_start3A_74 = arith.constant 0 : i32
        %dma_start3A_75 = tpu.memref_slice %arg5[%multiple_of3A_64, %dma_start3A_74] : memref<2560x128xi32, #tpu.memory_space<hbm>> -> memref<8x128xi32, #tpu.memory_space<hbm>>
        tpu.enqueue_dma source(%arg12 : memref<8x128xi32, #tpu.memory_space<vmem>>) target(%dma_start3A_75 : memref<8x128xi32, #tpu.memory_space<hbm>>) target_semaphore(%run_scoped3A : memref<!tpu.dma_semaphore, #tpu.memory_space<semaphore_mem>>)
        %dma_wait3A = arith.constant 0 : i32
        %dma_wait3A_76 = tpu.memref_slice %arg5[%multiple_of3A_64, %dma_wait3A] : memref<2560x128xi32, #tpu.memory_space<hbm>> -> memref<8x128xi32, #tpu.memory_space<hbm>>
        %dma_wait3A_77 = arith.constant 0 : i32
        %dma_wait3A_78 = tpu.memref_slice %arg5[%multiple_of3A_64, %dma_wait3A_77] : memref<2560x128xi32, #tpu.memory_space<hbm>> -> memref<8x128xi32, #tpu.memory_space<hbm>>
        tpu.wait_dma2 semaphore(%run_scoped3A : memref<!tpu.dma_semaphore, #tpu.memory_space<semaphore_mem>>) src(%arg12 : memref<8x128xi32, #tpu.memory_space<vmem>>) dst(%dma_wait3A_78 : memref<8x128xi32, #tpu.memory_space<hbm>>)
        tpu.yield
      }) : () -> ()
      "tpu.region"() ({
        %run_scoped3A = tpu.sem_alloc : memref<!tpu.dma_semaphore, #tpu.memory_space<semaphore_mem>>
        %dma_start3A = arith.constant 0 : i32
        %dma_start3A_73 = tpu.memref_slice %arg6[%multiple_of3A_64, %dma_start3A] : memref<2560x128xi32, #tpu.memory_space<hbm>> -> memref<8x128xi32, #tpu.memory_space<hbm>>
        %dma_start3A_74 = arith.constant 0 : i32
        %dma_start3A_75 = tpu.memref_slice %arg6[%multiple_of3A_64, %dma_start3A_74] : memref<2560x128xi32, #tpu.memory_space<hbm>> -> memref<8x128xi32, #tpu.memory_space<hbm>>
        tpu.enqueue_dma source(%arg13 : memref<8x128xi32, #tpu.memory_space<vmem>>) target(%dma_start3A_75 : memref<8x128xi32, #tpu.memory_space<hbm>>) target_semaphore(%run_scoped3A : memref<!tpu.dma_semaphore, #tpu.memory_space<semaphore_mem>>)
        %dma_wait3A = arith.constant 0 : i32
        %dma_wait3A_76 = tpu.memref_slice %arg6[%multiple_of3A_64, %dma_wait3A] : memref<2560x128xi32, #tpu.memory_space<hbm>> -> memref<8x128xi32, #tpu.memory_space<hbm>>
        %dma_wait3A_77 = arith.constant 0 : i32
        %dma_wait3A_78 = tpu.memref_slice %arg6[%multiple_of3A_64, %dma_wait3A_77] : memref<2560x128xi32, #tpu.memory_space<hbm>> -> memref<8x128xi32, #tpu.memory_space<hbm>>
        tpu.wait_dma2 semaphore(%run_scoped3A : memref<!tpu.dma_semaphore, #tpu.memory_space<semaphore_mem>>) src(%arg13 : memref<8x128xi32, #tpu.memory_space<vmem>>) dst(%dma_wait3A_78 : memref<8x128xi32, #tpu.memory_space<hbm>>)
        tpu.yield
      }) : () -> ()
      %scan3A_65 = arith.constant 0 : i32
      %scan3A_66 = arith.constant 0 : i32
      %scan3A_67 = arith.constant 8 : i32
      %scan3A_68 = arith.addi %scan3A_66, %scan3A_67 : i32
      %scan3A_69 = arith.constant 1 : i32
      %scan3A_70 = scf.for %scan3A_73 = %scan3A_66 to %scan3A_68 step %scan3A_69 iter_args(%scan3A_74 = %scan3A_65) -> (i32)  : i32 {
        "tpu.region"() ({
          %run_scoped3A = tpu.sem_alloc : memref<!tpu.dma_semaphore, #tpu.memory_space<semaphore_mem>>
          %dma_start3A = arith.constant 0 : i32
          %dma_start3A_76 = tpu.memref_slice %arg14[%scan3A_73, %dma_start3A] : memref<8x128xi32, #tpu.memory_space<vmem>> -> memref<1x128xi32, #tpu.memory_space<vmem>>
          %dma_start3A_77 = tpu.memref_squeeze %dma_start3A_76 : memref<1x128xi32, #tpu.memory_space<vmem>> -> memref<128xi32, #tpu.memory_space<vmem>>
          %dma_start3A_78 = arith.constant 0 : i32
          %dma_start3A_79 = tpu.memref_slice %arg18[%dma_start3A_78] : memref<50176xf32, #tpu.memory_space<vmem_shared>> -> memref<50176xf32, #tpu.memory_space<vmem_shared>>
          tpu.enqueue_indirect_dma source(%arg16 : memref<128xf32, #tpu.memory_space<vmem>>) target(%dma_start3A_79 : memref<50176xf32, #tpu.memory_space<vmem_shared>>) offsets(%dma_start3A_77 : memref<128xi32, #tpu.memory_space<vmem>>) semaphore(%run_scoped3A : memref<!tpu.dma_semaphore, #tpu.memory_space<semaphore_mem>>) {add = true}
          %dma_wait3A = arith.constant 0 : i32
          %dma_wait3A_80 = tpu.memref_slice %arg14[%scan3A_73, %dma_wait3A] : memref<8x128xi32, #tpu.memory_space<vmem>> -> memref<1x128xi32, #tpu.memory_space<vmem>>
          %dma_wait3A_81 = tpu.memref_squeeze %dma_wait3A_80 : memref<1x128xi32, #tpu.memory_space<vmem>> -> memref<128xi32, #tpu.memory_space<vmem>>
          %dma_wait3A_82 = arith.constant 0 : i32
          %dma_wait3A_83 = tpu.memref_slice %arg18[%dma_wait3A_82] : memref<50176xf32, #tpu.memory_space<vmem_shared>> -> memref<50176xf32, #tpu.memory_space<vmem_shared>>
          tpu.wait_indirect_dma semaphore(%run_scoped3A : memref<!tpu.dma_semaphore, #tpu.memory_space<semaphore_mem>>) src(%arg16 : memref<128xf32, #tpu.memory_space<vmem>>) dst(%dma_wait3A_83 : memref<50176xf32, #tpu.memory_space<vmem_shared>>)
          tpu.yield
        }) : () -> ()
        "tpu.region"() ({
          %run_scoped3A = tpu.sem_alloc : memref<!tpu.dma_semaphore, #tpu.memory_space<semaphore_mem>>
          %dma_start3A = arith.constant 0 : i32
          %dma_start3A_76 = tpu.memref_slice %arg15[%scan3A_73, %dma_start3A] : memref<8x128xi32, #tpu.memory_space<vmem>> -> memref<1x128xi32, #tpu.memory_space<vmem>>
          %dma_start3A_77 = tpu.memref_squeeze %dma_start3A_76 : memref<1x128xi32, #tpu.memory_space<vmem>> -> memref<128xi32, #tpu.memory_space<vmem>>
          %dma_start3A_78 = arith.constant 0 : i32
          %dma_start3A_79 = tpu.memref_slice %arg19[%dma_start3A_78] : memref<50176xf32, #tpu.memory_space<vmem_shared>> -> memref<50176xf32, #tpu.memory_space<vmem_shared>>
          tpu.enqueue_indirect_dma source(%arg16 : memref<128xf32, #tpu.memory_space<vmem>>) target(%dma_start3A_79 : memref<50176xf32, #tpu.memory_space<vmem_shared>>) offsets(%dma_start3A_77 : memref<128xi32, #tpu.memory_space<vmem>>) semaphore(%run_scoped3A : memref<!tpu.dma_semaphore, #tpu.memory_space<semaphore_mem>>) {add = true}
          %dma_wait3A = arith.constant 0 : i32
          %dma_wait3A_80 = tpu.memref_slice %arg15[%scan3A_73, %dma_wait3A] : memref<8x128xi32, #tpu.memory_space<vmem>> -> memref<1x128xi32, #tpu.memory_space<vmem>>
          %dma_wait3A_81 = tpu.memref_squeeze %dma_wait3A_80 : memref<1x128xi32, #tpu.memory_space<vmem>> -> memref<128xi32, #tpu.memory_space<vmem>>
          %dma_wait3A_82 = arith.constant 0 : i32
          %dma_wait3A_83 = tpu.memref_slice %arg19[%dma_wait3A_82] : memref<50176xf32, #tpu.memory_space<vmem_shared>> -> memref<50176xf32, #tpu.memory_space<vmem_shared>>
          tpu.wait_indirect_dma semaphore(%run_scoped3A : memref<!tpu.dma_semaphore, #tpu.memory_space<semaphore_mem>>) src(%arg16 : memref<128xf32, #tpu.memory_space<vmem>>) dst(%dma_wait3A_83 : memref<50176xf32, #tpu.memory_space<vmem_shared>>)
          tpu.yield
        }) : () -> ()
        %scan3A_75 = arith.constant 0 : i32
        scf.yield %scan3A_75 : i32
      }
      %scan3A_71 = arith.constant 8 : i32
      %scan3A_72 = arith.constant 0 : i32
      scf.yield %scan3A_72 : i32
    }
    %scan3A_27 = arith.constant 10 : i32
    %barrier3A_28 = arith.constant 0 : index
    tpu.barrier barrier_id(%barrier3A_28)
    %mul3A_29 = arith.constant 50176 : i32
    %mul3A_30 = arith.muli %arg0, %mul3A_29 : i32
    %mul3A_31 = arith.constant 3136 : i32
    %mul3A_32 = arith.muli %arg1, %mul3A_31 : i32
    %add3A_33 = arith.addi %mul3A_30, %mul3A_32 : i32
    %multiple_of3A_34 = tpu.assume_multiple %add3A_33, 8 : i32
    "tpu.region"() ({
      %run_scoped3A = tpu.sem_alloc : memref<!tpu.dma_semaphore, #tpu.memory_space<semaphore_mem>>
      %dma_start3A = tpu.memref_slice %arg18[%multiple_of3A] : memref<50176xf32, #tpu.memory_space<vmem_shared>> -> memref<3136xf32, #tpu.memory_space<vmem_shared>>
      %dma_start3A_35 = tpu.memref_slice %arg18[%multiple_of3A] : memref<50176xf32, #tpu.memory_space<vmem_shared>> -> memref<3136xf32, #tpu.memory_space<vmem_shared>>
      tpu.enqueue_dma source(%dma_start3A_35 : memref<3136xf32, #tpu.memory_space<vmem_shared>>) target(%arg17 : memref<3136xf32, #tpu.memory_space<vmem>>) target_semaphore(%run_scoped3A : memref<!tpu.dma_semaphore, #tpu.memory_space<semaphore_mem>>)
      %dma_wait3A = tpu.memref_slice %arg18[%multiple_of3A] : memref<50176xf32, #tpu.memory_space<vmem_shared>> -> memref<3136xf32, #tpu.memory_space<vmem_shared>>
      %dma_wait3A_36 = tpu.memref_slice %arg18[%multiple_of3A] : memref<50176xf32, #tpu.memory_space<vmem_shared>> -> memref<3136xf32, #tpu.memory_space<vmem_shared>>
      tpu.wait_dma2 semaphore(%run_scoped3A : memref<!tpu.dma_semaphore, #tpu.memory_space<semaphore_mem>>) src(%dma_wait3A_36 : memref<3136xf32, #tpu.memory_space<vmem_shared>>) dst(%arg17 : memref<3136xf32, #tpu.memory_space<vmem>>)
      tpu.yield
    }) : () -> ()
    "tpu.region"() ({
      %run_scoped3A = tpu.sem_alloc : memref<!tpu.dma_semaphore, #tpu.memory_space<semaphore_mem>>
      %dma_start3A = tpu.memref_slice %arg7[%multiple_of3A_34] : memref<100352xf32, #tpu.memory_space<hbm>> -> memref<3136xf32, #tpu.memory_space<hbm>>
      %dma_start3A_35 = tpu.memref_slice %arg7[%multiple_of3A_34] : memref<100352xf32, #tpu.memory_space<hbm>> -> memref<3136xf32, #tpu.memory_space<hbm>>
      tpu.enqueue_dma source(%arg17 : memref<3136xf32, #tpu.memory_space<vmem>>) target(%dma_start3A_35 : memref<3136xf32, #tpu.memory_space<hbm>>) target_semaphore(%run_scoped3A : memref<!tpu.dma_semaphore, #tpu.memory_space<semaphore_mem>>)
      %dma_wait3A = tpu.memref_slice %arg7[%multiple_of3A_34] : memref<100352xf32, #tpu.memory_space<hbm>> -> memref<3136xf32, #tpu.memory_space<hbm>>
      %dma_wait3A_36 = tpu.memref_slice %arg7[%multiple_of3A_34] : memref<100352xf32, #tpu.memory_space<hbm>> -> memref<3136xf32, #tpu.memory_space<hbm>>
      tpu.wait_dma2 semaphore(%run_scoped3A : memref<!tpu.dma_semaphore, #tpu.memory_space<semaphore_mem>>) src(%arg17 : memref<3136xf32, #tpu.memory_space<vmem>>) dst(%dma_wait3A_36 : memref<3136xf32, #tpu.memory_space<hbm>>)
      tpu.yield
    }) : () -> ()
    "tpu.region"() ({
      %run_scoped3A = tpu.sem_alloc : memref<!tpu.dma_semaphore, #tpu.memory_space<semaphore_mem>>
      %dma_start3A = tpu.memref_slice %arg19[%multiple_of3A] : memref<50176xf32, #tpu.memory_space<vmem_shared>> -> memref<3136xf32, #tpu.memory_space<vmem_shared>>
      %dma_start3A_35 = tpu.memref_slice %arg19[%multiple_of3A] : memref<50176xf32, #tpu.memory_space<vmem_shared>> -> memref<3136xf32, #tpu.memory_space<vmem_shared>>
      tpu.enqueue_dma source(%dma_start3A_35 : memref<3136xf32, #tpu.memory_space<vmem_shared>>) target(%arg17 : memref<3136xf32, #tpu.memory_space<vmem>>) target_semaphore(%run_scoped3A : memref<!tpu.dma_semaphore, #tpu.memory_space<semaphore_mem>>)
      %dma_wait3A = tpu.memref_slice %arg19[%multiple_of3A] : memref<50176xf32, #tpu.memory_space<vmem_shared>> -> memref<3136xf32, #tpu.memory_space<vmem_shared>>
      %dma_wait3A_36 = tpu.memref_slice %arg19[%multiple_of3A] : memref<50176xf32, #tpu.memory_space<vmem_shared>> -> memref<3136xf32, #tpu.memory_space<vmem_shared>>
      tpu.wait_dma2 semaphore(%run_scoped3A : memref<!tpu.dma_semaphore, #tpu.memory_space<semaphore_mem>>) src(%dma_wait3A_36 : memref<3136xf32, #tpu.memory_space<vmem_shared>>) dst(%arg17 : memref<3136xf32, #tpu.memory_space<vmem>>)
      tpu.yield
    }) : () -> ()
    "tpu.region"() ({
      %run_scoped3A = tpu.sem_alloc : memref<!tpu.dma_semaphore, #tpu.memory_space<semaphore_mem>>
      %dma_start3A = tpu.memref_slice %arg8[%multiple_of3A_34] : memref<100352xf32, #tpu.memory_space<hbm>> -> memref<3136xf32, #tpu.memory_space<hbm>>
      %dma_start3A_35 = tpu.memref_slice %arg8[%multiple_of3A_34] : memref<100352xf32, #tpu.memory_space<hbm>> -> memref<3136xf32, #tpu.memory_space<hbm>>
      tpu.enqueue_dma source(%arg17 : memref<3136xf32, #tpu.memory_space<vmem>>) target(%dma_start3A_35 : memref<3136xf32, #tpu.memory_space<hbm>>) target_semaphore(%run_scoped3A : memref<!tpu.dma_semaphore, #tpu.memory_space<semaphore_mem>>)
      %dma_wait3A = tpu.memref_slice %arg8[%multiple_of3A_34] : memref<100352xf32, #tpu.memory_space<hbm>> -> memref<3136xf32, #tpu.memory_space<hbm>>
      %dma_wait3A_36 = tpu.memref_slice %arg8[%multiple_of3A_34] : memref<100352xf32, #tpu.memory_space<hbm>> -> memref<3136xf32, #tpu.memory_space<hbm>>
      tpu.wait_dma2 semaphore(%run_scoped3A : memref<!tpu.dma_semaphore, #tpu.memory_space<semaphore_mem>>) src(%arg17 : memref<3136xf32, #tpu.memory_space<vmem>>) dst(%dma_wait3A_36 : memref<3136xf32, #tpu.memory_space<hbm>>)
      tpu.yield
    }) : () -> ()
    return
  }
}

module attributes {stable_mosaic.version = 14 : i64} {
  func.func @_feat_body(%arg0: i32, %arg1: i32, %arg2: memref<1000x128xf32, #tpu.memory_space<vmem>>, %arg3: memref<1x128x32xf32, #tpu.memory_space<vmem>>, %arg4: memref<2x1x1000x1xf32, #tpu.memory_space<vmem>>, %arg5: memref<1000x32xbf16, #tpu.memory_space<vmem>>) attributes {dimension_semantics = [#tpu.dimension_semantics<arbitrary>, #tpu.dimension_semantics<arbitrary>], iteration_bounds = array<i64: 5, 10>, scalar_prefetch = 0 : i64, scratch_operands = 0 : i64, tpu.core_type = #tpu.core_type<tc>, window_params = [{transform_indices = @transform_0, window_bounds = array<i64: 1000, 128>}, {transform_indices = @transform_1, window_bounds = array<i64: 1, 128, 32>}, {transform_indices = @transform_2, window_bounds = array<i64: 2, 1, 1000, 1>}, {transform_indices = @transform_3, window_bounds = array<i64: 1000, 32>}]} {
    %get3A = arith.constant 0 : index
    %get3A_0 = arith.constant 0 : index
    %get3A_1 = arith.constant 0 : index
    %get3A_2 = arith.constant 0 : index
    %get3A_3 = vector.load %arg4[%get3A, %get3A_0, %get3A_1, %get3A_2] : memref<2x1x1000x1xf32, #tpu.memory_space<vmem>>, vector<1x1x1000x1xf32>
    %get3A_4 = vector.shape_cast %get3A_3 : vector<1x1x1000x1xf32> to vector<1000x1xf32>
    %get3A_5 = arith.constant 1 : index
    %get3A_6 = arith.constant 0 : index
    %get3A_7 = arith.constant 0 : index
    %get3A_8 = arith.constant 0 : index
    %get3A_9 = vector.load %arg4[%get3A_5, %get3A_6, %get3A_7, %get3A_8] : memref<2x1x1000x1xf32, #tpu.memory_space<vmem>>, vector<1x1x1000x1xf32>
    %get3A_10 = vector.shape_cast %get3A_9 : vector<1x1x1000x1xf32> to vector<1000x1xf32>
    %add3A = arith.addf %get3A_4, %get3A_10 : vector<1000x1xf32>
    %max3A = arith.constant 1.000000e+00 : f32
    %max3A_11 = vector.broadcast %max3A : f32 to vector<1000x1xf32>
    %max3A_12 = arith.maximumf %add3A, %max3A_11 : vector<1000x1xf32>
    %rsqrt3A = math.rsqrt %max3A_12 : vector<1000x1xf32>
    %get3A_13 = arith.constant 0 : index
    %get3A_14 = arith.constant 0 : index
    %get3A_15 = vector.load %arg2[%get3A_13, %get3A_14] : memref<1000x128xf32, #tpu.memory_space<vmem>>, vector<1000x128xf32>
    %get3A_16 = arith.constant 0 : index
    %get3A_17 = arith.constant 0 : index
    %get3A_18 = arith.constant 0 : index
    %get3A_19 = vector.load %arg3[%get3A_16, %get3A_17, %get3A_18] : memref<1x128x32xf32, #tpu.memory_space<vmem>>, vector<1x128x32xf32>
    %get3A_20 = vector.shape_cast %get3A_19 : vector<1x128x32xf32> to vector<128x32xf32>
    %dot_general3A = arith.constant dense<0.000000e+00> : vector<1000x32xf32>
    %dot_general3A_21 = tpu.matmul %get3A_15, %get3A_20, %dot_general3A {dimension_numbers = #tpu.dot_dimension_numbers<[1], [0], [0], [1], [0, 0, 1, 1], [], []>, transpose_lhs_hint = false} : vector<1000x128xf32>, vector<128x32xf32>, vector<1000x32xf32> -> vector<1000x32xf32>
    %mul3A = vector.broadcast %rsqrt3A : vector<1000x1xf32> to vector<1000x32xf32>
    %mul3A_22 = arith.mulf %dot_general3A_21, %mul3A : vector<1000x32xf32>
    %convert_element_type3A = arith.truncf %mul3A_22 : vector<1000x32xf32> to vector<1000x32xbf16>
    %swap3A = arith.constant 0 : index
    %swap3A_23 = arith.constant 0 : index
    %swap3A_24 = vector.load %arg5[%swap3A, %swap3A_23] : memref<1000x32xbf16, #tpu.memory_space<vmem>>, vector<1000x32xbf16>
    tpu.vector_store %arg5[%swap3A, %swap3A_23], %convert_element_type3A {strides = array<i32>} : memref<1000x32xbf16, #tpu.memory_space<vmem>>, vector<1000x32xbf16>,
    return
  }
  func.func @transform_0(%arg0: i32, %arg1: i32) -> (i32, i32) {
    %c0_i32 = arith.constant 0 : i32
    %c0_i32_0 = arith.constant 0 : i32
    return %arg1, %c0_i32 : i32, i32
  }
  func.func @transform_1(%arg0: i32, %arg1: i32) -> (i32, i32, i32) {
    %c0_i32 = arith.constant 0 : i32
    %c0_i32_0 = arith.constant 0 : i32
    %c0_i32_1 = arith.constant 0 : i32
    return %arg0, %c0_i32, %c0_i32_0 : i32, i32, i32
  }
  func.func @transform_2(%arg0: i32, %arg1: i32) -> (i32, i32, i32, i32) {
    %c0_i32 = arith.constant 0 : i32
    %c0_i32_0 = arith.constant 0 : i32
    %c0_i32_1 = arith.constant 0 : i32
    return %c0_i32, %arg0, %arg1, %c0_i32_0 : i32, i32, i32, i32
  }
  func.func @transform_3(%arg0: i32, %arg1: i32) -> (i32, i32) {
    %mul3A = arith.constant 10 : i32
    %mul3A_0 = arith.muli %arg0, %mul3A : i32
    %add3A = arith.addi %mul3A_0, %arg1 : i32
    %c0_i32 = arith.constant 0 : i32
    %c0_i32_1 = arith.constant 0 : i32
    return %add3A, %c0_i32 : i32, i32
  }
}

module attributes {stable_mosaic.version = 14 : i64} {
  func.func @_epi_body(%arg0: i32, %arg1: memref<2x1000x32xbf16, #tpu.memory_space<vmem>>, %arg2: memref<2x1000x32xbf16, #tpu.memory_space<vmem>>, %arg3: memref<2x1000x32xbf16, #tpu.memory_space<vmem>>, %arg4: memref<2x1000x32xbf16, #tpu.memory_space<vmem>>, %arg5: memref<2x1000x32xbf16, #tpu.memory_space<vmem>>, %arg6: memref<2x5x1000x1xf32, #tpu.memory_space<vmem>>, %arg7: memref<5x32xf32, #tpu.memory_space<vmem>>, %arg8: memref<1000x160xf32, #tpu.memory_space<vmem>>) attributes {dimension_semantics = [#tpu.dimension_semantics<arbitrary>], iteration_bounds = array<i64: 10>, scalar_prefetch = 0 : i64, scratch_operands = 0 : i64, tpu.core_type = #tpu.core_type<tc>, window_params = [{transform_indices = @transform_0, window_bounds = array<i64: 2, 1000, 32>}, {transform_indices = @transform_1, window_bounds = array<i64: 2, 1000, 32>}, {transform_indices = @transform_2, window_bounds = array<i64: 2, 1000, 32>}, {transform_indices = @transform_3, window_bounds = array<i64: 2, 1000, 32>}, {transform_indices = @transform_4, window_bounds = array<i64: 2, 1000, 32>}, {transform_indices = @transform_5, window_bounds = array<i64: 2, 5, 1000, 1>}, {pipeline_mode = #tpu.pipeline_mode<synchronous>, transform_indices = @transform_6, window_bounds = array<i64: 5, 32>}, {transform_indices = @transform_7, window_bounds = array<i64: 1000, 160>}]} {
    %get3A = arith.constant 0 : index
    %get3A_0 = arith.constant 0 : index
    %get3A_1 = arith.constant 0 : index
    %get3A_2 = vector.load %arg1[%get3A, %get3A_0, %get3A_1] : memref<2x1000x32xbf16, #tpu.memory_space<vmem>>, vector<1x1000x32xbf16>
    %get3A_3 = vector.shape_cast %get3A_2 : vector<1x1000x32xbf16> to vector<1000x32xbf16>
    %convert_element_type3A = arith.extf %get3A_3 : vector<1000x32xbf16> to vector<1000x32xf32>
    %get3A_4 = arith.constant 1 : index
    %get3A_5 = arith.constant 0 : index
    %get3A_6 = arith.constant 0 : index
    %get3A_7 = vector.load %arg1[%get3A_4, %get3A_5, %get3A_6] : memref<2x1000x32xbf16, #tpu.memory_space<vmem>>, vector<1x1000x32xbf16>
    %get3A_8 = vector.shape_cast %get3A_7 : vector<1x1000x32xbf16> to vector<1000x32xbf16>
    %convert_element_type3A_9 = arith.extf %get3A_8 : vector<1000x32xbf16> to vector<1000x32xf32>
    %add3A = arith.addf %convert_element_type3A, %convert_element_type3A_9 : vector<1000x32xf32>
    %get3A_10 = arith.constant 0 : index
    %get3A_11 = arith.constant 0 : index
    %get3A_12 = arith.constant 0 : index
    %get3A_13 = arith.constant 0 : index
    %get3A_14 = vector.load %arg6[%get3A_10, %get3A_11, %get3A_12, %get3A_13] : memref<2x5x1000x1xf32, #tpu.memory_space<vmem>>, vector<1x1x1000x1xf32>
    %get3A_15 = vector.shape_cast %get3A_14 : vector<1x1x1000x1xf32> to vector<1000x1xf32>
    %get3A_16 = arith.constant 1 : index
    %get3A_17 = arith.constant 0 : index
    %get3A_18 = arith.constant 0 : index
    %get3A_19 = arith.constant 0 : index
    %get3A_20 = vector.load %arg6[%get3A_16, %get3A_17, %get3A_18, %get3A_19] : memref<2x5x1000x1xf32, #tpu.memory_space<vmem>>, vector<1x1x1000x1xf32>
    %get3A_21 = vector.shape_cast %get3A_20 : vector<1x1x1000x1xf32> to vector<1000x1xf32>
    %add3A_22 = arith.addf %get3A_15, %get3A_21 : vector<1000x1xf32>
    %max3A = arith.constant 1.000000e+00 : f32
    %max3A_23 = vector.broadcast %max3A : f32 to vector<1000x1xf32>
    %max3A_24 = arith.maximumf %add3A_22, %max3A_23 : vector<1000x1xf32>
    %rsqrt3A = math.rsqrt %max3A_24 : vector<1000x1xf32>
    %mul3A = vector.broadcast %rsqrt3A : vector<1000x1xf32> to vector<1000x32xf32>
    %mul3A_25 = arith.mulf %add3A, %mul3A : vector<1000x32xf32>
    %get3A_26 = arith.constant 0 : index
    %get3A_27 = arith.constant 0 : index
    %get3A_28 = vector.load %arg7[%get3A_26, %get3A_27] : memref<5x32xf32, #tpu.memory_space<vmem>>, vector<1x32xf32>
    %get3A_29 = vector.shape_cast %get3A_28 : vector<1x32xf32> to vector<32xf32>
    %broadcast_in_dim3A = vector.shape_cast %get3A_29 : vector<32xf32> to vector<1x32xf32>
    %add3A_30 = vector.broadcast %broadcast_in_dim3A : vector<1x32xf32> to vector<1000x32xf32>
    %add3A_31 = arith.addf %mul3A_25, %add3A_30 : vector<1000x32xf32>
    %gt3A = arith.constant 0.000000e+00 : f32
    %gt3A_32 = vector.broadcast %gt3A : f32 to vector<1000x1xf32>
    %gt3A_33 = arith.cmpf ogt, %add3A_22, %gt3A_32 : vector<1000x1xf32>
    %jit3A = arith.constant 0.000000e+00 : f32
    %broadcast_in_dim3A_34 = vector.shape_cast %gt3A_33 : vector<1000x1xi1> to vector<1000x1xi1>
    %broadcast_in_dim3A_35 = vector.broadcast %broadcast_in_dim3A_34 : vector<1000x1xi1> to vector<1000x32xi1>
    %broadcast_in_dim3A_36 = vector.broadcast %jit3A : f32 to vector<1000x32xf32>
    %select_n3A = arith.select %broadcast_in_dim3A_35, %add3A_31, %broadcast_in_dim3A_36 : vector<1000x32xi1>, vector<1000x32xf32>
    %get3A_37 = arith.constant 0 : index
    %get3A_38 = arith.constant 0 : index
    %get3A_39 = arith.constant 0 : index
    %get3A_40 = vector.load %arg2[%get3A_37, %get3A_38, %get3A_39] : memref<2x1000x32xbf16, #tpu.memory_space<vmem>>, vector<1x1000x32xbf16>
    %get3A_41 = vector.shape_cast %get3A_40 : vector<1x1000x32xbf16> to vector<1000x32xbf16>
    %convert_element_type3A_42 = arith.extf %get3A_41 : vector<1000x32xbf16> to vector<1000x32xf32>
    %get3A_43 = arith.constant 1 : index
    %get3A_44 = arith.constant 0 : index
    %get3A_45 = arith.constant 0 : index
    %get3A_46 = vector.load %arg2[%get3A_43, %get3A_44, %get3A_45] : memref<2x1000x32xbf16, #tpu.memory_space<vmem>>, vector<1x1000x32xbf16>
    %get3A_47 = vector.shape_cast %get3A_46 : vector<1x1000x32xbf16> to vector<1000x32xbf16>
    %convert_element_type3A_48 = arith.extf %get3A_47 : vector<1000x32xbf16> to vector<1000x32xf32>
    %add3A_49 = arith.addf %convert_element_type3A_42, %convert_element_type3A_48 : vector<1000x32xf32>
    %get3A_50 = arith.constant 0 : index
    %get3A_51 = arith.constant 1 : index
    %get3A_52 = arith.constant 0 : index
    %get3A_53 = arith.constant 0 : index
    %get3A_54 = vector.load %arg6[%get3A_50, %get3A_51, %get3A_52, %get3A_53] : memref<2x5x1000x1xf32, #tpu.memory_space<vmem>>, vector<1x1x1000x1xf32>
    %get3A_55 = vector.shape_cast %get3A_54 : vector<1x1x1000x1xf32> to vector<1000x1xf32>
    %get3A_56 = arith.constant 1 : index
    %get3A_57 = arith.constant 1 : index
    %get3A_58 = arith.constant 0 : index
    %get3A_59 = arith.constant 0 : index
    %get3A_60 = vector.load %arg6[%get3A_56, %get3A_57, %get3A_58, %get3A_59] : memref<2x5x1000x1xf32, #tpu.memory_space<vmem>>, vector<1x1x1000x1xf32>
    %get3A_61 = vector.shape_cast %get3A_60 : vector<1x1x1000x1xf32> to vector<1000x1xf32>
    %add3A_62 = arith.addf %get3A_55, %get3A_61 : vector<1000x1xf32>
    %max3A_63 = arith.constant 1.000000e+00 : f32
    %max3A_64 = vector.broadcast %max3A_63 : f32 to vector<1000x1xf32>
    %max3A_65 = arith.maximumf %add3A_62, %max3A_64 : vector<1000x1xf32>
    %rsqrt3A_66 = math.rsqrt %max3A_65 : vector<1000x1xf32>
    %mul3A_67 = vector.broadcast %rsqrt3A_66 : vector<1000x1xf32> to vector<1000x32xf32>
    %mul3A_68 = arith.mulf %add3A_49, %mul3A_67 : vector<1000x32xf32>
    %get3A_69 = arith.constant 1 : index
    %get3A_70 = arith.constant 0 : index
    %get3A_71 = vector.load %arg7[%get3A_69, %get3A_70] : memref<5x32xf32, #tpu.memory_space<vmem>>, vector<1x32xf32>
    %get3A_72 = vector.shape_cast %get3A_71 : vector<1x32xf32> to vector<32xf32>
    %broadcast_in_dim3A_73 = vector.shape_cast %get3A_72 : vector<32xf32> to vector<1x32xf32>
    %add3A_74 = vector.broadcast %broadcast_in_dim3A_73 : vector<1x32xf32> to vector<1000x32xf32>
    %add3A_75 = arith.addf %mul3A_68, %add3A_74 : vector<1000x32xf32>
    %gt3A_76 = arith.constant 0.000000e+00 : f32
    %gt3A_77 = vector.broadcast %gt3A_76 : f32 to vector<1000x1xf32>
    %gt3A_78 = arith.cmpf ogt, %add3A_62, %gt3A_77 : vector<1000x1xf32>
    %jit3A_79 = arith.constant 0.000000e+00 : f32
    %broadcast_in_dim3A_80 = vector.shape_cast %gt3A_78 : vector<1000x1xi1> to vector<1000x1xi1>
    %broadcast_in_dim3A_81 = vector.broadcast %broadcast_in_dim3A_80 : vector<1000x1xi1> to vector<1000x32xi1>
    %broadcast_in_dim3A_82 = vector.broadcast %jit3A_79 : f32 to vector<1000x32xf32>
    %select_n3A_83 = arith.select %broadcast_in_dim3A_81, %add3A_75, %broadcast_in_dim3A_82 : vector<1000x32xi1>, vector<1000x32xf32>
    %get3A_84 = arith.constant 0 : index
    %get3A_85 = arith.constant 0 : index
    %get3A_86 = arith.constant 0 : index
    %get3A_87 = vector.load %arg3[%get3A_84, %get3A_85, %get3A_86] : memref<2x1000x32xbf16, #tpu.memory_space<vmem>>, vector<1x1000x32xbf16>
    %get3A_88 = vector.shape_cast %get3A_87 : vector<1x1000x32xbf16> to vector<1000x32xbf16>
    %convert_element_type3A_89 = arith.extf %get3A_88 : vector<1000x32xbf16> to vector<1000x32xf32>
    %get3A_90 = arith.constant 1 : index
    %get3A_91 = arith.constant 0 : index
    %get3A_92 = arith.constant 0 : index
    %get3A_93 = vector.load %arg3[%get3A_90, %get3A_91, %get3A_92] : memref<2x1000x32xbf16, #tpu.memory_space<vmem>>, vector<1x1000x32xbf16>
    %get3A_94 = vector.shape_cast %get3A_93 : vector<1x1000x32xbf16> to vector<1000x32xbf16>
    %convert_element_type3A_95 = arith.extf %get3A_94 : vector<1000x32xbf16> to vector<1000x32xf32>
    %add3A_96 = arith.addf %convert_element_type3A_89, %convert_element_type3A_95 : vector<1000x32xf32>
    %get3A_97 = arith.constant 0 : index
    %get3A_98 = arith.constant 2 : index
    %get3A_99 = arith.constant 0 : index
    %get3A_100 = arith.constant 0 : index
    %get3A_101 = vector.load %arg6[%get3A_97, %get3A_98, %get3A_99, %get3A_100] : memref<2x5x1000x1xf32, #tpu.memory_space<vmem>>, vector<1x1x1000x1xf32>
    %get3A_102 = vector.shape_cast %get3A_101 : vector<1x1x1000x1xf32> to vector<1000x1xf32>
    %get3A_103 = arith.constant 1 : index
    %get3A_104 = arith.constant 2 : index
    %get3A_105 = arith.constant 0 : index
    %get3A_106 = arith.constant 0 : index
    %get3A_107 = vector.load %arg6[%get3A_103, %get3A_104, %get3A_105, %get3A_106] : memref<2x5x1000x1xf32, #tpu.memory_space<vmem>>, vector<1x1x1000x1xf32>
    %get3A_108 = vector.shape_cast %get3A_107 : vector<1x1x1000x1xf32> to vector<1000x1xf32>
    %add3A_109 = arith.addf %get3A_102, %get3A_108 : vector<1000x1xf32>
    %max3A_110 = arith.constant 1.000000e+00 : f32
    %max3A_111 = vector.broadcast %max3A_110 : f32 to vector<1000x1xf32>
    %max3A_112 = arith.maximumf %add3A_109, %max3A_111 : vector<1000x1xf32>
    %rsqrt3A_113 = math.rsqrt %max3A_112 : vector<1000x1xf32>
    %mul3A_114 = vector.broadcast %rsqrt3A_113 : vector<1000x1xf32> to vector<1000x32xf32>
    %mul3A_115 = arith.mulf %add3A_96, %mul3A_114 : vector<1000x32xf32>
    %get3A_116 = arith.constant 2 : index
    %get3A_117 = arith.constant 0 : index
    %get3A_118 = vector.load %arg7[%get3A_116, %get3A_117] : memref<5x32xf32, #tpu.memory_space<vmem>>, vector<1x32xf32>
    %get3A_119 = vector.shape_cast %get3A_118 : vector<1x32xf32> to vector<32xf32>
    %broadcast_in_dim3A_120 = vector.shape_cast %get3A_119 : vector<32xf32> to vector<1x32xf32>
    %add3A_121 = vector.broadcast %broadcast_in_dim3A_120 : vector<1x32xf32> to vector<1000x32xf32>
    %add3A_122 = arith.addf %mul3A_115, %add3A_121 : vector<1000x32xf32>
    %gt3A_123 = arith.constant 0.000000e+00 : f32
    %gt3A_124 = vector.broadcast %gt3A_123 : f32 to vector<1000x1xf32>
    %gt3A_125 = arith.cmpf ogt, %add3A_109, %gt3A_124 : vector<1000x1xf32>
    %jit3A_126 = arith.constant 0.000000e+00 : f32
    %broadcast_in_dim3A_127 = vector.shape_cast %gt3A_125 : vector<1000x1xi1> to vector<1000x1xi1>
    %broadcast_in_dim3A_128 = vector.broadcast %broadcast_in_dim3A_127 : vector<1000x1xi1> to vector<1000x32xi1>
    %broadcast_in_dim3A_129 = vector.broadcast %jit3A_126 : f32 to vector<1000x32xf32>
    %select_n3A_130 = arith.select %broadcast_in_dim3A_128, %add3A_122, %broadcast_in_dim3A_129 : vector<1000x32xi1>, vector<1000x32xf32>
    %get3A_131 = arith.constant 0 : index
    %get3A_132 = arith.constant 0 : index
    %get3A_133 = arith.constant 0 : index
    %get3A_134 = vector.load %arg4[%get3A_131, %get3A_132, %get3A_133] : memref<2x1000x32xbf16, #tpu.memory_space<vmem>>, vector<1x1000x32xbf16>
    %get3A_135 = vector.shape_cast %get3A_134 : vector<1x1000x32xbf16> to vector<1000x32xbf16>
    %convert_element_type3A_136 = arith.extf %get3A_135 : vector<1000x32xbf16> to vector<1000x32xf32>
    %get3A_137 = arith.constant 1 : index
    %get3A_138 = arith.constant 0 : index
    %get3A_139 = arith.constant 0 : index
    %get3A_140 = vector.load %arg4[%get3A_137, %get3A_138, %get3A_139] : memref<2x1000x32xbf16, #tpu.memory_space<vmem>>, vector<1x1000x32xbf16>
    %get3A_141 = vector.shape_cast %get3A_140 : vector<1x1000x32xbf16> to vector<1000x32xbf16>
    %convert_element_type3A_142 = arith.extf %get3A_141 : vector<1000x32xbf16> to vector<1000x32xf32>
    %add3A_143 = arith.addf %convert_element_type3A_136, %convert_element_type3A_142 : vector<1000x32xf32>
    %get3A_144 = arith.constant 0 : index
    %get3A_145 = arith.constant 3 : index
    %get3A_146 = arith.constant 0 : index
    %get3A_147 = arith.constant 0 : index
    %get3A_148 = vector.load %arg6[%get3A_144, %get3A_145, %get3A_146, %get3A_147] : memref<2x5x1000x1xf32, #tpu.memory_space<vmem>>, vector<1x1x1000x1xf32>
    %get3A_149 = vector.shape_cast %get3A_148 : vector<1x1x1000x1xf32> to vector<1000x1xf32>
    %get3A_150 = arith.constant 1 : index
    %get3A_151 = arith.constant 3 : index
    %get3A_152 = arith.constant 0 : index
    %get3A_153 = arith.constant 0 : index
    %get3A_154 = vector.load %arg6[%get3A_150, %get3A_151, %get3A_152, %get3A_153] : memref<2x5x1000x1xf32, #tpu.memory_space<vmem>>, vector<1x1x1000x1xf32>
    %get3A_155 = vector.shape_cast %get3A_154 : vector<1x1x1000x1xf32> to vector<1000x1xf32>
    %add3A_156 = arith.addf %get3A_149, %get3A_155 : vector<1000x1xf32>
    %max3A_157 = arith.constant 1.000000e+00 : f32
    %max3A_158 = vector.broadcast %max3A_157 : f32 to vector<1000x1xf32>
    %max3A_159 = arith.maximumf %add3A_156, %max3A_158 : vector<1000x1xf32>
    %rsqrt3A_160 = math.rsqrt %max3A_159 : vector<1000x1xf32>
    %mul3A_161 = vector.broadcast %rsqrt3A_160 : vector<1000x1xf32> to vector<1000x32xf32>
    %mul3A_162 = arith.mulf %add3A_143, %mul3A_161 : vector<1000x32xf32>
    %get3A_163 = arith.constant 3 : index
    %get3A_164 = arith.constant 0 : index
    %get3A_165 = vector.load %arg7[%get3A_163, %get3A_164] : memref<5x32xf32, #tpu.memory_space<vmem>>, vector<1x32xf32>
    %get3A_166 = vector.shape_cast %get3A_165 : vector<1x32xf32> to vector<32xf32>
    %broadcast_in_dim3A_167 = vector.shape_cast %get3A_166 : vector<32xf32> to vector<1x32xf32>
    %add3A_168 = vector.broadcast %broadcast_in_dim3A_167 : vector<1x32xf32> to vector<1000x32xf32>
    %add3A_169 = arith.addf %mul3A_162, %add3A_168 : vector<1000x32xf32>
    %gt3A_170 = arith.constant 0.000000e+00 : f32
    %gt3A_171 = vector.broadcast %gt3A_170 : f32 to vector<1000x1xf32>
    %gt3A_172 = arith.cmpf ogt, %add3A_156, %gt3A_171 : vector<1000x1xf32>
    %jit3A_173 = arith.constant 0.000000e+00 : f32
    %broadcast_in_dim3A_174 = vector.shape_cast %gt3A_172 : vector<1000x1xi1> to vector<1000x1xi1>
    %broadcast_in_dim3A_175 = vector.broadcast %broadcast_in_dim3A_174 : vector<1000x1xi1> to vector<1000x32xi1>
    %broadcast_in_dim3A_176 = vector.broadcast %jit3A_173 : f32 to vector<1000x32xf32>
    %select_n3A_177 = arith.select %broadcast_in_dim3A_175, %add3A_169, %broadcast_in_dim3A_176 : vector<1000x32xi1>, vector<1000x32xf32>
    %get3A_178 = arith.constant 0 : index
    %get3A_179 = arith.constant 0 : index
    %get3A_180 = arith.constant 0 : index
    %get3A_181 = vector.load %arg5[%get3A_178, %get3A_179, %get3A_180] : memref<2x1000x32xbf16, #tpu.memory_space<vmem>>, vector<1x1000x32xbf16>
    %get3A_182 = vector.shape_cast %get3A_181 : vector<1x1000x32xbf16> to vector<1000x32xbf16>
    %convert_element_type3A_183 = arith.extf %get3A_182 : vector<1000x32xbf16> to vector<1000x32xf32>
    %get3A_184 = arith.constant 1 : index
    %get3A_185 = arith.constant 0 : index
    %get3A_186 = arith.constant 0 : index
    %get3A_187 = vector.load %arg5[%get3A_184, %get3A_185, %get3A_186] : memref<2x1000x32xbf16, #tpu.memory_space<vmem>>, vector<1x1000x32xbf16>
    %get3A_188 = vector.shape_cast %get3A_187 : vector<1x1000x32xbf16> to vector<1000x32xbf16>
    %convert_element_type3A_189 = arith.extf %get3A_188 : vector<1000x32xbf16> to vector<1000x32xf32>
    %add3A_190 = arith.addf %convert_element_type3A_183, %convert_element_type3A_189 : vector<1000x32xf32>
    %get3A_191 = arith.constant 0 : index
    %get3A_192 = arith.constant 4 : index
    %get3A_193 = arith.constant 0 : index
    %get3A_194 = arith.constant 0 : index
    %get3A_195 = vector.load %arg6[%get3A_191, %get3A_192, %get3A_193, %get3A_194] : memref<2x5x1000x1xf32, #tpu.memory_space<vmem>>, vector<1x1x1000x1xf32>
    %get3A_196 = vector.shape_cast %get3A_195 : vector<1x1x1000x1xf32> to vector<1000x1xf32>
    %get3A_197 = arith.constant 1 : index
    %get3A_198 = arith.constant 4 : index
    %get3A_199 = arith.constant 0 : index
    %get3A_200 = arith.constant 0 : index
    %get3A_201 = vector.load %arg6[%get3A_197, %get3A_198, %get3A_199, %get3A_200] : memref<2x5x1000x1xf32, #tpu.memory_space<vmem>>, vector<1x1x1000x1xf32>
    %get3A_202 = vector.shape_cast %get3A_201 : vector<1x1x1000x1xf32> to vector<1000x1xf32>
    %add3A_203 = arith.addf %get3A_196, %get3A_202 : vector<1000x1xf32>
    %max3A_204 = arith.constant 1.000000e+00 : f32
    %max3A_205 = vector.broadcast %max3A_204 : f32 to vector<1000x1xf32>
    %max3A_206 = arith.maximumf %add3A_203, %max3A_205 : vector<1000x1xf32>
    %rsqrt3A_207 = math.rsqrt %max3A_206 : vector<1000x1xf32>
    %mul3A_208 = vector.broadcast %rsqrt3A_207 : vector<1000x1xf32> to vector<1000x32xf32>
    %mul3A_209 = arith.mulf %add3A_190, %mul3A_208 : vector<1000x32xf32>
    %get3A_210 = arith.constant 4 : index
    %get3A_211 = arith.constant 0 : index
    %get3A_212 = vector.load %arg7[%get3A_210, %get3A_211] : memref<5x32xf32, #tpu.memory_space<vmem>>, vector<1x32xf32>
    %get3A_213 = vector.shape_cast %get3A_212 : vector<1x32xf32> to vector<32xf32>
    %broadcast_in_dim3A_214 = vector.shape_cast %get3A_213 : vector<32xf32> to vector<1x32xf32>
    %add3A_215 = vector.broadcast %broadcast_in_dim3A_214 : vector<1x32xf32> to vector<1000x32xf32>
    %add3A_216 = arith.addf %mul3A_209, %add3A_215 : vector<1000x32xf32>
    %gt3A_217 = arith.constant 0.000000e+00 : f32
    %gt3A_218 = vector.broadcast %gt3A_217 : f32 to vector<1000x1xf32>
    %gt3A_219 = arith.cmpf ogt, %add3A_203, %gt3A_218 : vector<1000x1xf32>
    %jit3A_220 = arith.constant 0.000000e+00 : f32
    %broadcast_in_dim3A_221 = vector.shape_cast %gt3A_219 : vector<1000x1xi1> to vector<1000x1xi1>
    %broadcast_in_dim3A_222 = vector.broadcast %broadcast_in_dim3A_221 : vector<1000x1xi1> to vector<1000x32xi1>
    %broadcast_in_dim3A_223 = vector.broadcast %jit3A_220 : f32 to vector<1000x32xf32>
    %select_n3A_224 = arith.select %broadcast_in_dim3A_222, %add3A_216, %broadcast_in_dim3A_223 : vector<1000x32xi1>, vector<1000x32xf32>
    %concatenate3A = tpu.concatenate %select_n3A, %select_n3A_83, %select_n3A_130, %select_n3A_177, %select_n3A_224 in 1 : vector<1000x32xf32>, vector<1000x32xf32>, vector<1000x32xf32>, vector<1000x32xf32>, vector<1000x32xf32> -> vector<1000x160xf32>
    %swap3A = arith.constant 0 : index
    %swap3A_225 = arith.constant 0 : index
    %swap3A_226 = vector.load %arg8[%swap3A, %swap3A_225] : memref<1000x160xf32, #tpu.memory_space<vmem>>, vector<1000x160xf32>
    tpu.vector_store %arg8[%swap3A, %swap3A_225], %concatenate3A {strides = array<i32>} : memref<1000x160xf32, #tpu.memory_space<vmem>>, vector<1000x160xf32>,
    return
  }
  func.func @transform_0(%arg0: i32) -> (i32, i32, i32) {
    %add3A = arith.constant 0 : i32
    %add3A_0 = arith.addi %add3A, %arg0 : i32
    %c0_i32 = arith.constant 0 : i32
    %c0_i32_1 = arith.constant 0 : i32
    %c0_i32_2 = arith.constant 0 : i32
    return %c0_i32, %add3A_0, %c0_i32_1 : i32, i32, i32
  }
  func.func @transform_1(%arg0: i32) -> (i32, i32, i32) {
    %add3A = arith.constant 10 : i32
    %add3A_0 = arith.addi %add3A, %arg0 : i32
    %c0_i32 = arith.constant 0 : i32
    %c0_i32_1 = arith.constant 0 : i32
    %c0_i32_2 = arith.constant 0 : i32
    return %c0_i32, %add3A_0, %c0_i32_1 : i32, i32, i32
  }
  func.func @transform_2(%arg0: i32) -> (i32, i32, i32) {
    %add3A = arith.constant 20 : i32
    %add3A_0 = arith.addi %add3A, %arg0 : i32
    %c0_i32 = arith.constant 0 : i32
    %c0_i32_1 = arith.constant 0 : i32
    %c0_i32_2 = arith.constant 0 : i32
    return %c0_i32, %add3A_0, %c0_i32_1 : i32, i32, i32
  }
  func.func @transform_3(%arg0: i32) -> (i32, i32, i32) {
    %add3A = arith.constant 30 : i32
    %add3A_0 = arith.addi %add3A, %arg0 : i32
    %c0_i32 = arith.constant 0 : i32
    %c0_i32_1 = arith.constant 0 : i32
    %c0_i32_2 = arith.constant 0 : i32
    return %c0_i32, %add3A_0, %c0_i32_1 : i32, i32, i32
  }
  func.func @transform_4(%arg0: i32) -> (i32, i32, i32) {
    %add3A = arith.constant 40 : i32
    %add3A_0 = arith.addi %add3A, %arg0 : i32
    %c0_i32 = arith.constant 0 : i32
    %c0_i32_1 = arith.constant 0 : i32
    %c0_i32_2 = arith.constant 0 : i32
    return %c0_i32, %add3A_0, %c0_i32_1 : i32, i32, i32
  }
  func.func @transform_5(%arg0: i32) -> (i32, i32, i32, i32) {
    %c0_i32 = arith.constant 0 : i32
    %c0_i32_0 = arith.constant 0 : i32
    %c0_i32_1 = arith.constant 0 : i32
    %c0_i32_2 = arith.constant 0 : i32
    return %c0_i32, %c0_i32_0, %arg0, %c0_i32_1 : i32, i32, i32, i32
  }
  func.func @transform_6(%arg0: i32) -> (i32, i32) {
    %c0_i32 = arith.constant 0 : i32
    %c0_i32_0 = arith.constant 0 : i32
    %c0_i32_1 = arith.constant 0 : i32
    return %c0_i32, %c0_i32_0 : i32, i32
  }
  func.func @transform_7(%arg0: i32) -> (i32, i32) {
    %c0_i32 = arith.constant 0 : i32
    %c0_i32_0 = arith.constant 0 : i32
    return %arg0, %c0_i32 : i32, i32
  }
}

</mosaic_0001>

<sc_bundles>
// kernel: kernel.6.cloned.1.call-start
scs
__scs_entry_jumppad:
0x0: {  	(pc) =	sbr.rel $0x88, $3  }
0x1: {  	(tag) =	ssettag $0x0;
	lr =	simm.s32 $0x1  }
0x2: {  	[smem:$0x3F9C] =	sst lr;
	_ =	strace $0xD0000000  }
0x3: {  	_ = 	snop  }
0x4: {  	_ = 	snop  }
0x5: {  	_ = 	snop  }
0x6: {  	_ = 	snop  }
0x7: {  	_ = 	snop  }
__scs_overlays_trampoline_lowered:
0x8: {  	[smem:$0x3FAB] =	sst s0  }
0x9: {  	[smem:$0x3FAC] =	sst s1  }
0xa: {  	[smem:$0x3FAD] =	sst s2  }
0xb: {  	[smem:$0x3FAE] =	sst s3  }
0xc: {  	[smem:$0x3FAF] =	sst s4  }
0xd: {  	[smem:$0x3FB0] =	sst s5  }
0xe: {  	[smem:$0x3FB1] =	sst s6  }
0xf: {  	[smem:$0x3FB2] =	sst s7  }
0x10: {  	[smem:$0x3FB3] =	sst s8  }
0x11: {  	[smem:$0x3FB4] =	sst s9;
	s0 =	simm.s32 @!p0 $0x0  }
0x12: {  	s1 =	sld [smem:$0x3F9A];
	s0 =	simm.s32 @p0 $0x1  }
0x13: {  	[smem:$0x3FB5] =	sst s0;
	s0 =	simm.s32 @!p1 $0x0  }
0x14: {  	s2 =	sld [smem:$0x3F99];
	s0 =	simm.s32 @p1 $0x1  }
0x15: {  	[smem:$0x3FB6] =	sst s0;
	s0 =	simm.s32 @!p2 $0x0  }
0x16: {  	s3 =	sld [smem:$0x3FDB];
	s0 =	simm.s32 @p2 $0x1  }
0x17: {  	s4 =	simm.s32 $0x1BF5;
	[smem:$0x3FB8] =	sst s0  }
0x18: {  	s0 =	sld [smem:$0x3F9B];
	_ =	swait.ge [sflag:s4], $0x0  }
0x19: {  	s7 =	sld [smem:$0x3F9C]  }
0x1a: {  	s8 =	sadd.s32 $0xFFFFE003, lr  }
0x1b: {  	s9 =	sadd.s32 $0xFFFFFEF7, lr;
	s5 =	simm.s32 $0xFFFFFFFF;
	p2 =	slt.u32 s8, $0xFFFFF086  }
0x1c: {  	p1 =	slt.u32 s9, $0xF7A;
	s5 =	simm.s32 @!p2 $0x0  }
0x1d: {  	s5 =	simm.s32 @p1 $0x1;
	p0 =	seq.s32 s7, s2  }
0x1e: {  	s7 =	smul.u32 @!p0 $0xF7A, s2;
	p2 =	seq.s32 @!p0 s5, $0x0  }
0x1f: {  	s9 =	smul.u32 $0xF7A, s1;
	s8 =	simm.s32 @!p0 $0x1BF5;
	p2 =	por !p2, p0  }
0x20: {  	[sflag:s8] =	ssyncset.s32 @!p0 $0xFFFFF086;
	s6 =	sadd.s32 @!p0 s3, s7;
	s7 =	simm.s32 @!p0 $0x108  }
0x21: {  	s3 =	sadd.s32 s3, s9;
	s6 =	sadd.s32 @!p0 $0x88, s6;
	s7 =	simm.s32 @p2 $0x1082  }
0x22: {  	[simem:s7], [sflag:s8] =	dma.local @!p0 [hbm:s6], $0xF7A  }
0x23: {  	s9 =	sor.u32 $0xD0000000, s2;
	s6 =	simm.s32 $0x108;
	_ =	swait.ge @!p0 [sflag:s8], $0x0  }
0x24: {  	s3 =	sadd.s32 $0x88, s3;
	s6 =	simm.s32 @!p1 $0x1082;
	[sflag:s4] =	ssyncset.s32 $0xFFFFF086  }
0x25: {  	[simem:s6], [sflag:s4] =	dma.local [hbm:s3], $0xF7A  }
0x26: {  	[smem:$0x3F9C] =	sst s1;
	(tag) =	ssettag s2;
	_ =	strace s9  }
0x27: {  	s1 =	sld [smem:$0x3FAC]  }
0x28: {  	s2 =	sld [smem:$0x3FAD]  }
0x29: {  	s4 =	sld [smem:$0x3FAF]  }
0x2a: {  	p0 =	seq.s32 s5, $0x0;
	s5 =	sld [smem:$0x3FB0]  }
0x2b: {  	s6 =	sld [smem:$0x3FB1]  }
0x2c: {  	s7 =	sld [smem:$0x3FB2]  }
0x2d: {  	s3 =	simm.s32 $0x108;
	s8 =	sld [smem:$0x3FB3]  }
0x2e: {  	s3 =	simm.s32 @!p0 $0x1082;
	s9 =	sld [smem:$0x3FB4]  }
0x2f: {  	lr =	sadd.s32 s0, s3;
	s0 =	sld [smem:$0x3FAB]  }
0x30: {  	s3 =	sld [smem:$0x3FAE]  }
0x31: {  	[smem:$0x3FB7] =	sst s10  }
0x32: {  	s10 =	sld [smem:$0x3FB5];
	_ =	sdelay $0x3  }
0x33: {  	p0 =	seq.s32 s10, $0x1;
	s10 =	sld [smem:$0x3FB7];
	_ =	sdelay $0x3  }
0x34: {  	[smem:$0x3FB7] =	sst s10  }
0x35: {  	s10 =	sld [smem:$0x3FB6];
	_ =	sdelay $0x3  }
0x36: {  	p1 =	seq.s32 s10, $0x1;
	s10 =	sld [smem:$0x3FB7];
	_ =	sdelay $0x3  }
0x37: {  	[smem:$0x3FB7] =	sst s10  }
0x38: {  	s10 =	sld [smem:$0x3FB8]  }
0x39: {  	_ = 	snop;
	(pc) =	sbr.ind lr, $3  }
0x3a: {  	_ = 	snop  }
0x3b: {  	_ = 	snop  }
0x3c: {  	p2 =	seq.s32 s10, $0x1;
	s10 =	sld [smem:$0x3FB7]  }
0x3d: {  	_ =	shalt  }
0x3e: {  	_ =	shalt  }
0x3f: {  	_ =	shalt  }
0x40: {  	_ =	shalt  }
0x41: {  	_ =	shalt  }
0x42: {  	_ =	shalt  }
0x43: {  	_ =	shalt  }
0x44: {  	_ =	shalt  }
0x45: {  	_ =	shalt  }
0x46: {  	_ =	shalt  }
0x47: {  	_ =	shalt  }
0x48: {  	_ =	shalt  }
0x49: {  	_ =	shalt  }
0x4a: {  	_ =	shalt  }
0x4b: {  	_ =	shalt  }
0x4c: {  	_ =	shalt  }
0x4d: {  	_ =	shalt  }
0x4e: {  	_ =	shalt  }
0x4f: {  	_ =	shalt  }
0x50: {  	_ =	shalt  }
0x51: {  	_ =	shalt  }
0x52: {  	_ =	shalt  }
0x53: {  	_ =	shalt  }
0x54: {  	_ =	shalt  }
0x55: {  	_ =	shalt  }
0x56: {  	_ =	shalt  }
0x57: {  	_ =	shalt  }
0x58: {  	_ =	shalt  }
0x59: {  	_ =	shalt  }
0x5a: {  	_ =	shalt  }
0x5b: {  	_ =	shalt  }
0x5c: {  	_ =	shalt  }
0x5d: {  	_ =	shalt  }
0x5e: {  	_ =	shalt  }
0x5f: {  	_ =	shalt  }
0x60: {  	_ =	shalt  }
0x61: {  	_ =	shalt  }
0x62: {  	_ =	shalt  }
0x63: {  	_ =	shalt  }
0x64: {  	_ =	shalt  }
0x65: {  	_ =	shalt  }
0x66: {  	_ =	shalt  }
0x67: {  	_ =	shalt  }
0x68: {  	_ =	shalt  }
0x69: {  	_ =	shalt  }
0x6a: {  	_ =	shalt  }
0x6b: {  	_ =	shalt  }
0x6c: {  	_ =	shalt  }
0x6d: {  	_ =	shalt  }
0x6e: {  	_ =	shalt  }
0x6f: {  	_ =	shalt  }
0x70: {  	_ =	shalt  }
0x71: {  	_ =	shalt  }
0x72: {  	_ =	shalt  }
0x73: {  	_ =	shalt  }
0x74: {  	_ =	shalt  }
0x75: {  	_ =	shalt  }
0x76: {  	_ =	shalt  }
0x77: {  	_ =	shalt  }
0x78: {  	_ =	shalt  }
0x79: {  	_ =	shalt  }
0x7a: {  	_ =	shalt  }
0x7b: {  	_ =	shalt  }
0x7c: {  	_ =	shalt  }
0x7d: {  	_ =	shalt  }
0x7e: {  	_ =	shalt  }
0x7f: {  	_ =	shalt  }
0x80: {  	_ =	shalt  }
0x81: {  	_ =	shalt  }
0x82: {  	_ =	shalt  }
0x83: {  	_ =	shalt  }
0x84: {  	_ =	shalt  }
0x85: {  	_ =	shalt  }
0x86: {  	_ =	shalt  }
0x87: {  	_ =	shalt  }
.Lfunc_end0:
.L_simem_size_0:
called_computation_lowered:
.L_overlay_start_0:
0x88: {  	s2 =	sld [smem:$0x3FD9]  }
0x89: {  	s3 =	sld [smem:$0x3FFE];
	_ =	sdelay $0x1  }
0x8a: {  	s1 =	srdreg.scid  }
0x8b: {  	s0 =	sand.u32 $0x1, s1  }
0x8c: {  	s17 =	sshll.u32 s0, $0xA;
	s2 =	sadd.s32 s3, s2  }
0x8d: {  	s2 =	sadd.s32 s2, s17  }
0x8e: {  	[smem:$0x3FC3] =	sst s2  }
0x8f: {  	_ = 	snop  }
0x90: {  	s2 =	sld [smem:$0x3FD0];
	(tm) =	ssettm $0x1  }
0x91: {  	s18 =	sld [smem:$0x3FFB];
	_ =	sdelay $0x3  }
0x92: {  	_ =	strace s18  }
0x93: {  	s3 =	sld [smem:$0x3FFC];
	_ =	sdelay $0x3  }
0x94: {  	_ =	strace s3  }
0x95: {  	s3 =	sld [smem:$0x3FFD];
	_ =	sdelay $0x3  }
0x96: {  	_ =	strace s3  }
0x97: {  	_ =	strace $0x8FFFFFFF  }
0x98: {  	s19 =	sld [smem:$0x3FDB];
	_ =	sdelay $0x1  }
0x99: {  	s4 =	simm.s32 $_scs_section_size  }
0x9a: {  	s5 =	simm.s32 $_size__tile_overlayer_lowered;
	s6 =	simm.s32 $_tile_overlayer_lowered  }
0x9b: {  	s22 =	simm.s32 $0x1BFF;
	s21 =	sshll.u32 s6, $0x1;
	s3 =	sadd.s32 s4, s19  }
0x9c: {  	s7 =	simm.s32 $0x0;
	s20 =	sshll.u32 s5, $0x1;
	s5 =	sadd.s32 s21, s3  }
0x9d: {  	[timem:s7], [sflag:s22] =	dma.local [hbm:s5], s20  }
0x9e: {  	_ =	swait.ge [sflag:s22], s20  }
0x9f: {  	s4 =	ssub.s32 $0x0, s20;
	[sflag:s22] =	ssyncset.done $0x0  }
0xa0: {  	[sflag:s22] =	ssyncadd.s32 s4;
	_ =	sdelay $0x1  }
0xa1: {  	s23 =	simm.s32 $0x1B8B  }
0xa2: {  	_ =	swait.ge [sflag:s23], $0x1  }
0xa3: {  	[sflag:s23] =	ssyncset.done $0x0  }
0xa4: {  	s25 =	simm.s32 $0x1B8E;
	s24 =	sld [smem:$0x3FFE];
	[sflag:s23] =	ssyncadd.s32 $0xFFFFFFFF  }
0xa5: {  	s26 =	simm.s32 $execute0_lowered;
	[smem:$0x3FD2] =	sst s25  }
0xa6: {  	s5 =	sshll.u32 s26, $0x1;
	_ =	strace $0x80000046;
	[dreg:$0x1] =	wrdreg $0xFFFFFFFF  }
0xa7: {  	s28 =	simm.s32 $_size_execute0_lowered;
	s3 =	sadd.s32 s3, s5;
	[dreg:$0x0] =	wrdreg $0x0  }
0xa8: {  	s5 =	sshll.u32 s28, $0x1;
	[dreg:$0x2] =	wrdreg s3  }
0xa9: {  	[dreg:$0x3] =	wrdreg s5  }
0xaa: {  	[dreg:$0x4] =	wrdreg $0xC0  }
0xab: {  	_ =	task [dreg:s7], $0x5FFFF  }
0xac: {  	[dreg:$0x1] =	wrdreg $0xFFFFFFFF  }
0xad: {  	[dreg:$0x0] =	wrdreg $0x60  }
0xae: {  	[dreg:$0x2] =	wrdreg s2  }
0xaf: {  	[dreg:$0x3] =	wrdreg s24  }
0xb0: {  	[dreg:$0x4] =	wrdreg $0x28C00  }
0xb1: {  	[dreg:$0x5] =	wrdreg $0x35000  }
0xb2: {  	[dreg:$0x6] =	wrdreg $0x9  }
0xb3: {  	_ =	task.clear_ibuf [dreg:s7], $0x7FFFF;
	_ =	strace $0x90000046  }
0xb4: {  	s29 =	simm.s32 $0x9;
	_ =	strace $0x80000048  }
0xb5: {  	_ =	swait.ge [sflag:s29], $0x1  }
0xb6: {  	[sflag:s29] =	ssyncadd.s32 $0xFFFFFFFF  }
0xb7: {  	_ =	strace $0x90000048  }
0xb8: {  	_ =	sfence  }
0xb9: {  	s30 =	sld [smem:$0x0];
	_ =	sdelay $0x2  }
0xba: {  	s31 =	sshll.u32 s1, $0xD;
	s1 =	sshrl.u32 s1, $0x2  }
0xbb: {  	s3 =	sand.u32 $0x4000, s31;
	s1 =	sadd.s32 s1, s30  }
0xbc: {  	s0 =	sor.u32 s3, s0;
	s1 =	sshll.u32 s1, $0x11  }
0xbd: {  	s0 =	sor.u32 s1, s0  }
0xbe: {  	s0 =	sadd.s32 $0x8F2B, s0  }
0xbf: {  	[sflag:s0] =	ssyncadd.remote.s32 $0x1  }
0xc0: {  	_ =	sfence.sel $0xFFFF  }
0xc1: {  	[dreg:$0x0] =	wrdreg $0xFFFFFFFF;
	(pc) =	sbr.abs _section_cstart, $3  }
0xc2: {  	[dreg:$0x1] =	wrdreg $0xFFFFFFFF  }
0xc3: {  	_ =	task.clear_ibuf [dreg:s7], $0x2FFFF;
	_ =	strace $0x9FFFFFFF  }
0xc4: {  	(tm) =	ssettm $0x7FFFFFFF  }
0xc5: {  	_ =	shalt  }
tec
execute0_lowered:
.L_overlay_start_1:
0x0: {  	(tag) =	ssettag $0x1  }
0x1: {  	s0 =	rddreg [dreg:$0x1]  }
0x2: {  	s3 =	rddreg [dreg:$0x2]  }
0x3: {  	s4 =	rddreg [dreg:$0x3];
	s1 =	srdreg.scid  }
0x4: {  	s13 =	stileid.u32;
	s5 =	simm.s32 $0x0;
	s21 =	simm.s32 $0x1C80  }
0x5: {  	s17 =	simm.s32 $0x1;
	s20 =	simm.s32 $0x80;
	s22 =	simm.s32 $0x1C00  }
0x6: {  	s14 =	simm.s32 $0x1700;
	s15 =	simm.s32 $0x1B00;
	s16 =	simm.s32 $0x0  }
0x7: {  	s1 =	sand.u32 $0x1, s1;
	s2 =	smul.u32 $0xC40, s13;
	[smem:$0x7FF] =	sst s5  }
0x8: {  	s6 =	sadd.s32 $0x1400, s0;
	s7 =	sadd.s32 $0xB400, s0;
	s8 =	sadd.s32 $0x1B800, s0  }
0x9: {  	s9 =	smul.u32 $0xC400, s1;
	s11 =	ssub.s32 $0x2, s1;
	s1 =	sshll.u32 s1, $0x4  }
0xa: {  	_ =	strace $0x80000047;
	s12 =	sshrl.u32 s11, $0x1;
	s1 =	sor.u32 s13, s1  }
0xb: {  	s18 =	sadd.s32 s2, s3;
	s19 =	sadd.s32 s2, s4;
	s13 =	simm.s32 $0x1A80  }
0xc: {  	s10 =	sadd.s32 s2, s9;
	s9 =	sadd.s32 $0x25800, s0;
	s29 =	ssub.s32 s11, s12  }
0xd: {  	s12 =	smul.u32 $0x2800, s1;
	[dreg:$0x5] =	wrdreg s18;
	s10 =	sshrl.u32 s10, $0x3  }
0xe: {  	[dreg:$0x6] =	wrdreg s19;
	s31 =	smax.u32 s29, $0x1;
	s0 =	sadd.s32 s10, s0  }
0xf: {  	s2 =	simm.s32 $0x1680;
	[dreg:$0x9] =	wrdreg s31;
	s30 =	sadd.s32 $0x15400, s0  }
0x10: {  	v0 =	vlaneseq.u32;
	s11 =	simm.s32 $0x1B80;
	s0 =	sadd.s32 $0x18600, s0;
	[dreg:$0x7] =	wrdreg s30  }
0x11: {  	v1 =	vimm.f32 $0.0e+00;
	v2 =	vimm.f32 $1.000000000e+00;
	v3 =	vmul.u32 $0xB, v0;
	s10 =	simm.s32 $0x1780;
	[dreg:$0x8] =	wrdreg s0;
	s0 =	simm.s32 $0x1A00  }
.LBB2_1:
0x12: {  	[dreg:$0xa] =	wrdreg s16;
	s1 =	simm.s32 $0x40;
	s16 =	simm.s32 $0x0  }
.LBB2_2:
0x13: {  	p0 =	sne.s32 s1, $0x30C0;
	[tilespmem:s16+$0x1C80] =	vst v1;
	s16 =	smov.u32 s1;
	s1 =	sadd.s32 $0x40, s1  }
.Ltmp0:
0x14: {  	(pc) =	sbr.rel @p0 .LBB2_2-.Ltmp0, $2  }
0x15: {  	_ =	sdelay $0x2  }
0x16: {  	s16 =	sshra.s32 s16, $0x2  }
0x17: {  	[tilespmem:s16+$0x1C80] =	vst v1  }
0x18: {  	[tilespmem:$0x1C00] =	vst v2  }
0x19: {  	[tilespmem:$0x1C10] =	vst v2  }
0x1a: {  	[tilespmem:$0x1C20] =	vst v2  }
0x1b: {  	[tilespmem:$0x1C30] =	vst v2  }
0x1c: {  	[tilespmem:$0x1C40] =	vst v2  }
0x1d: {  	[tilespmem:$0x1C50] =	vst v2  }
0x1e: {  	[tilespmem:$0x1C60] =	vst v2  }
0x1f: {  	[tilespmem:$0x1C70] =	vst v2  }
0x20: {  	[spmem:s18] =	stream.linear.scatter [tilespmem:s21], [sflag:$0x1], $0xC40, $0x38;
	[tilespmem:$0x4140] =	vst v63  }
0x21: {  	_ =	swait.ge [sflag:s17], $0xC40  }
0x22: {  	[sflag:s17] =	ssyncset.done $0x0  }
0x23: {  	[sflag:s17] =	ssyncadd.s32 $0xFFFFF3C0  }
0x24: {  	[spmem:s19] =	stream.linear.scatter [tilespmem:s21], [sflag:$0x1], $0xC40, $0x38;
	[tilespmem:$0x4140] =	vst v63  }
0x25: {  	_ =	swait.ge [sflag:s17], $0xC40  }
0x26: {  	[sflag:s17] =	ssyncset.done $0x0  }
0x27: {  	[sflag:s17] =	ssyncadd.s32 $0xFFFFF3C0  }
0x28: {  	s16 =	simm.s32 $0x0;
	s1 =	simm.s32 $0x0;
	[bflag:$0x0] =	sbarrier.arrive $0xFFFF  }
.LBB2_4:
0x29: {  	s18 =	sshll.u32 s1, $0xA  }
0x2a: {  	s18 =	sadd.s32 s12, s18  }
0x2b: {  	s19 =	rddreg [dreg:$0x0];
	s18 =	sshrl.u32 s18, $0x3  }
0x2c: {  	s19 =	sadd.s32 s19, s18  }
0x2d: {  	[tilespmem:s16], [sflag:$0x1] =	stream.linear.gather [hbm4b:s19+s16], $0x400, $0x38;
	[tilespmem:$0x4140] =	vst v63  }
0x2e: {  	_ =	swait.ge [sflag:s17], $0x400  }
0x2f: {  	[sflag:s17] =	ssyncset.done $0x0  }
0x30: {  	s21 =	sadd.s32 s6, s18;
	s19 =	simm.s32 $0x400;
	[sflag:s17] =	ssyncadd.s32 $0xFFFFFC00  }
0x31: {  	[tilespmem:s19], [sflag:$0x1] =	stream.linear.gather [hbm4b:s21+s16], $0x400, $0x38;
	[tilespmem:$0x4140] =	vst v63  }
0x32: {  	_ =	swait.ge [sflag:s17], $0x400  }
0x33: {  	[sflag:s17] =	ssyncset.done $0x0  }
0x34: {  	s23 =	sadd.s32 s7, s18;
	s21 =	simm.s32 $0x800;
	[sflag:s17] =	ssyncadd.s32 $0xFFFFFC00  }
0x35: {  	[tilespmem:s21], [sflag:$0x1] =	stream.linear.gather [hbm4b:s23+s16], $0x400, $0x38;
	[tilespmem:$0x4140] =	vst v63  }
0x36: {  	s24 =	simm.s32 $0x1400;
	s25 =	simm.s32 $0x1000;
	_ =	swait.ge [sflag:s17], $0x400  }
0x37: {  	s26 =	simm.s32 $0xC00;
	s28 =	simm.s32 $0x0;
	[sflag:s17] =	ssyncset.done $0x0  }
0x38: {  	s29 =	simm.s32 $0x0;
	s23 =	simm.s32 $0x1800;
	[sflag:s17] =	ssyncadd.s32 $0xFFFFFC00  }
.LBB2_5:
0x39: {  	v8 =	vmov s21  }
0x3a: {  	v9 =	vmov s28  }
0x3b: {  	v10 =	vmov s19;
	_ =	sdelay $0x1  }
0x3c: {  	s30 =	simm.s32 $0x0  }
0x3d: {  	v7 =	vmov s26;
	v12 =	vld.idx.msk [tilespmem:v8+s30+$0x0 ss:$0x1], $0xffff  }
0x3e: {  	v6 =	vmov s25;
	v5 =	vmov s24;
	v4 =	vmov s23;
	s31 =	simm.s32 $0x40;
	v11 =	vld.idx.msk [tilespmem:v9+s30+$0x0 ss:$0x1], $0xffff  }
.LBB2_6:
0x3f: {  	p0 =	sne.s32 s31, $0x1C0;
	v13 =	vld.idx.msk [tilespmem:v10+s30+$0x0 ss:$0x1], $0xffff;
	_ =	sdelay $0x3  }
0x40: {  	vm0 =	vlt.s32 v12, $0x4  }
0x41: {  	v14 =	vnsel vm0, $0x4, v12;
	v15 =	vadd.s32 v0, v11;
	vm0 =	vlt.s32 v12, $0x5  }
0x42: {  	v14 =	vmul.u32 $0x2710, v14;
	v15 =	vand.u32 $0x7F, v15;
	v16 =	vadd.s32 v13, v11  }
0x43: {  	v12 =	vmul.u32 $0x2710, v12;
	v15 =	vadd.s32 $0xC350, v15;
	v16 =	vadd.s32 v3, v16  }
0x44: {  	v17 =	vadd.s32 v11, v14;
	v14 =	vadd.s32 v13, v14;
	v16 =	vand.u32 $0x7F, v16  }
0x45: {  	v11 =	vadd.s32 v11, v12;
	v14 =	vsel vm0, v14, v15;
	v15 =	vadd.s32 $0xC350, v16;
	[tilespmem:v7+s30+$0x0 ss:$0x1] =	vst.idx.msk $0xffff, v17  }
.Ltmp1:
0x46: {  	v12 =	vadd.s32 v12, v13;
	v11 =	vsel vm0, v11, v15;
	[tilespmem:v6+s30+$0x0 ss:$0x1] =	vst.idx.msk $0xffff, v14;
	(pc) =	sbr.rel @p0 .LBB2_6-.Ltmp1, $4  }
0x47: {  	[tilespmem:v5+s30+$0x0 ss:$0x1] =	vst.idx.msk $0xffff, v11;
	v11 =	vsel vm0, v12, v15  }
0x48: {  	[tilespmem:v4+s30+$0x0 ss:$0x1] =	vst.idx.msk $0xffff, v11;
	s30 =	sshra.s32 s31, $0x2  }
0x49: {  	v12 =	vld.idx.msk [tilespmem:v8+s30+$0x0 ss:$0x1], $0xffff  }
0x4a: {  	s31 =	sadd.s32 $0x40, s31;
	v11 =	vld.idx.msk [tilespmem:v9+s30+$0x0 ss:$0x1], $0xffff  }
0x4b: {  	_ =	sdelay $0x3  }
0x4c: {  	v8 =	vld.idx.msk [tilespmem:v10+s30+$0x0 ss:$0x1], $0xffff;
	_ =	sdelay $0x2  }
0x4d: {  	vm0 =	vlt.s32 v12, $0x4  }
0x4e: {  	vm15 =	vlt.s32 v12, $0x5;
	v9 =	vnsel vm0, $0x4, v12;
	v57 =	vadd.s32 v0, v11  }
0x4f: {  	s29 =	sadd.s32 $0x1, s29;
	v9 =	vmul.u32 $0x2710, v9;
	v10 =	vand.u32 $0x7F, v57;
	v13 =	vadd.s32 v8, v11  }
0x50: {  	p0 =	sne.s32 s29, $0x8;
	v58 =	vmul.u32 $0x2710, v12;
	v10 =	vadd.s32 $0xC350, v10;
	v13 =	vadd.s32 v3, v13  }
.Ltmp2:
0x51: {  	v14 =	vadd.s32 v11, v9;
	v9 =	vadd.s32 v8, v9;
	v13 =	vand.u32 $0x7F, v13;
	(pc) =	sbr.rel @p0 .LBB2_5-.Ltmp2, $4  }
0x52: {  	v60 =	vadd.s32 v11, v58;
	[tilespmem:v7+s30+$0x0 ss:$0x1] =	vst.idx.msk $0xffff, v14;
	v59 =	vsel vm15, v9, v10;
	v61 =	vadd.s32 $0xC350, v13  }
0x53: {  	s21 =	sadd.s32 $0x80, s21;
	v63 =	vadd.s32 v58, v8;
	[tilespmem:v6+s30+$0x0 ss:$0x1] =	vst.idx.msk $0xffff, v59;
	v62 =	vsel vm15, v60, v61  }
0x54: {  	s28 =	sadd.s32 $0x80, s28;
	s19 =	sadd.s32 $0x80, s19;
	s23 =	sadd.s32 $0x80, s23;
	[tilespmem:v5+s30+$0x0 ss:$0x1] =	vst.idx.msk $0xffff, v62;
	v5 =	vsel vm15, v63, v61  }
0x55: {  	s24 =	sadd.s32 $0x80, s24;
	s25 =	sadd.s32 $0x80, s25;
	s26 =	sadd.s32 $0x80, s26;
	[tilespmem:v4+s30+$0x0 ss:$0x1] =	vst.idx.msk $0xffff, v5  }
0x56: {  	s19 =	sadd.s32 s8, s18;
	s21 =	simm.s32 $0xC00  }
0x57: {  	[hbm4b:s19+s5] =	stream.linear.scatter [tilespmem:s21], [sflag:$0x1], $0x400, $0x38;
	[tilespmem:$0x4140] =	vst v63  }
0x58: {  	_ =	swait.ge [sflag:s17], $0x400  }
0x59: {  	[sflag:s17] =	ssyncset.done $0x0  }
0x5a: {  	s30 =	sadd.s32 s9, s18;
	s31 =	simm.s32 $0x1000;
	[sflag:s17] =	ssyncadd.s32 $0xFFFFFC00  }
0x5b: {  	[hbm4b:s30+s5] =	stream.linear.scatter [tilespmem:s31], [sflag:$0x1], $0x400, $0x38;
	[tilespmem:$0x4140] =	vst v63  }
0x5c: {  	_ =	swait.ge [sflag:s17], $0x400  }
0x5d: {  	[sflag:s17] =	ssyncset.done $0x0  }
0x5e: {  	s21 =	simm.s32 $0x1400;
	[sflag:s17] =	ssyncadd.s32 $0xFFFFFC00  }
0x5f: {  	[spmem:s3] =	stream.indirect.scatter.add.f32 [tilespmem:s22], [sflag:$0x1], $0x1, s21, s20, $0xb8;
	[tilespmem:$0x4140] =	vst v63  }
0x60: {  	_ =	swait.ge [sflag:s17], $0x80  }
0x61: {  	[sflag:s17] =	ssyncset.done $0x0  }
0x62: {  	s23 =	simm.s32 $0x1800;
	[sflag:s17] =	ssyncadd.s32 $0xFFFFFF80  }
0x63: {  	[spmem:s4] =	stream.indirect.scatter.add.f32 [tilespmem:s22], [sflag:$0x1], $0x1, s23, s20, $0xb8;
	[tilespmem:$0x4140] =	vst v63  }
0x64: {  	_ =	swait.ge [sflag:s17], $0x80  }
0x65: {  	[sflag:s17] =	ssyncset.done $0x0  }
0x66: {  	s24 =	simm.s32 $0x1480;
	[sflag:s17] =	ssyncadd.s32 $0xFFFFFF80  }
0x67: {  	[spmem:s3] =	stream.indirect.scatter.add.f32 [tilespmem:s22], [sflag:$0x1], $0x1, s24, s20, $0xb8;
	[tilespmem:$0x4140] =	vst v63  }
0x68: {  	_ =	swait.ge [sflag:s17], $0x80  }
0x69: {  	[sflag:s17] =	ssyncset.done $0x0  }
0x6a: {  	s25 =	simm.s32 $0x1880;
	[sflag:s17] =	ssyncadd.s32 $0xFFFFFF80  }
0x6b: {  	[spmem:s4] =	stream.indirect.scatter.add.f32 [tilespmem:s22], [sflag:$0x1], $0x1, s25, s20, $0xb8;
	[tilespmem:$0x4140] =	vst v63  }
0x6c: {  	_ =	swait.ge [sflag:s17], $0x80  }
0x6d: {  	[sflag:s17] =	ssyncset.done $0x0  }
0x6e: {  	s26 =	simm.s32 $0x1500;
	[sflag:s17] =	ssyncadd.s32 $0xFFFFFF80  }
0x6f: {  	[spmem:s3] =	stream.indirect.scatter.add.f32 [tilespmem:s22], [sflag:$0x1], $0x1, s26, s20, $0xb8;
	[tilespmem:$0x4140] =	vst v63  }
0x70: {  	_ =	swait.ge [sflag:s17], $0x80  }
0x71: {  	[sflag:s17] =	ssyncset.done $0x0  }
0x72: {  	s28 =	simm.s32 $0x1900;
	[sflag:s17] =	ssyncadd.s32 $0xFFFFFF80  }
0x73: {  	[spmem:s4] =	stream.indirect.scatter.add.f32 [tilespmem:s22], [sflag:$0x1], $0x1, s28, s20, $0xb8;
	[tilespmem:$0x4140] =	vst v63  }
0x74: {  	_ =	swait.ge [sflag:s17], $0x80  }
0x75: {  	[sflag:s17] =	ssyncset.done $0x0  }
0x76: {  	s29 =	simm.s32 $0x1580;
	[sflag:s17] =	ssyncadd.s32 $0xFFFFFF80  }
0x77: {  	[spmem:s3] =	stream.indirect.scatter.add.f32 [tilespmem:s22], [sflag:$0x1], $0x1, s29, s20, $0xb8;
	[tilespmem:$0x4140] =	vst v63  }
0x78: {  	_ =	swait.ge [sflag:s17], $0x80  }
0x79: {  	[sflag:s17] =	ssyncset.done $0x0  }
0x7a: {  	s30 =	simm.s32 $0x1980;
	[sflag:s17] =	ssyncadd.s32 $0xFFFFFF80  }
0x7b: {  	[spmem:s4] =	stream.indirect.scatter.add.f32 [tilespmem:s22], [sflag:$0x1], $0x1, s30, s20, $0xb8;
	[tilespmem:$0x4140] =	vst v63  }
0x7c: {  	_ =	swait.ge [sflag:s17], $0x80  }
0x7d: {  	[sflag:s17] =	ssyncset.done $0x0  }
0x7e: {  	s31 =	simm.s32 $0x1600;
	[sflag:s17] =	ssyncadd.s32 $0xFFFFFF80  }
0x7f: {  	[spmem:s3] =	stream.indirect.scatter.add.f32 [tilespmem:s22], [sflag:$0x1], $0x1, s31, s20, $0xb8;
	[tilespmem:$0x4140] =	vst v63  }
0x80: {  	_ =	swait.ge [sflag:s17], $0x80  }
0x81: {  	[sflag:s17] =	ssyncset.done $0x0  }
0x82: {  	[sflag:s17] =	ssyncadd.s32 $0xFFFFFF80  }
0x83: {  	[spmem:s4] =	stream.indirect.scatter.add.f32 [tilespmem:s22], [sflag:$0x1], $0x1, s0, s20, $0xb8;
	[tilespmem:$0x4140] =	vst v63  }
0x84: {  	_ =	swait.ge [sflag:s17], $0x80  }
0x85: {  	[sflag:s17] =	ssyncset.done $0x0  }
0x86: {  	[sflag:s17] =	ssyncadd.s32 $0xFFFFFF80  }
0x87: {  	[spmem:s3] =	stream.indirect.scatter.add.f32 [tilespmem:s22], [sflag:$0x1], $0x1, s2, s20, $0xb8;
	[tilespmem:$0x4140] =	vst v63  }
0x88: {  	_ =	swait.ge [sflag:s17], $0x80  }
0x89: {  	[sflag:s17] =	ssyncset.done $0x0  }
0x8a: {  	[sflag:s17] =	ssyncadd.s32 $0xFFFFFF80  }
0x8b: {  	[spmem:s4] =	stream.indirect.scatter.add.f32 [tilespmem:s22], [sflag:$0x1], $0x1, s13, s20, $0xb8;
	[tilespmem:$0x4140] =	vst v63  }
0x8c: {  	_ =	swait.ge [sflag:s17], $0x80  }
0x8d: {  	[sflag:s17] =	ssyncset.done $0x0  }
0x8e: {  	[sflag:s17] =	ssyncadd.s32 $0xFFFFFF80  }
0x8f: {  	[spmem:s3] =	stream.indirect.scatter.add.f32 [tilespmem:s22], [sflag:$0x1], $0x1, s14, s20, $0xb8;
	[tilespmem:$0x4140] =	vst v63  }
0x90: {  	_ =	swait.ge [sflag:s17], $0x80  }
0x91: {  	[sflag:s17] =	ssyncset.done $0x0  }
0x92: {  	[sflag:s17] =	ssyncadd.s32 $0xFFFFFF80  }
0x93: {  	[spmem:s4] =	stream.indirect.scatter.add.f32 [tilespmem:s22], [sflag:$0x1], $0x1, s15, s20, $0xb8;
	[tilespmem:$0x4140] =	vst v63  }
0x94: {  	_ =	swait.ge [sflag:s17], $0x80  }
0x95: {  	[sflag:s17] =	ssyncset.done $0x0  }
0x96: {  	[sflag:s17] =	ssyncadd.s32 $0xFFFFFF80  }
0x97: {  	[spmem:s3] =	stream.indirect.scatter.add.f32 [tilespmem:s22], [sflag:$0x1], $0x1, s10, s20, $0xb8;
	[tilespmem:$0x4140] =	vst v63  }
0x98: {  	s1 =	sadd.s32 $0x1, s1;
	_ =	swait.ge [sflag:s17], $0x80  }
0x99: {  	p0 =	sne.s32 s1, $0xA;
	[sflag:s17] =	ssyncset.done $0x0  }
.Ltmp3:
0x9a: {  	[sflag:s17] =	ssyncadd.s32 $0xFFFFFF80;
	(pc) =	sbr.rel @p0 .LBB2_4-.Ltmp3, $4  }
0x9b: {  	[spmem:s4] =	stream.indirect.scatter.add.f32 [tilespmem:s22], [sflag:$0x1], $0x1, s11, s20, $0xb8;
	[tilespmem:$0x4140] =	vst v63  }
0x9c: {  	_ =	swait.ge [sflag:s17], $0x80  }
0x9d: {  	[sflag:s17] =	ssyncset.done $0x0  }
0x9e: {  	[sflag:s17] =	ssyncadd.s32 $0xFFFFFF80  }
0x9f: {  	[bflag:$0x0] =	sbarrier.arrive $0xFFFF  }
0xa0: {  	s21 =	simm.s32 $0x1C80;
	s18 =	rddreg [dreg:$0x5]  }
0xa1: {  	[tilespmem:s21], [sflag:$0x1] =	stream.linear.gather [spmem:s18], $0xC40, $0x38;
	[tilespmem:$0x4140] =	vst v63  }
0xa2: {  	_ =	swait.ge [sflag:s17], $0xC40  }
0xa3: {  	[sflag:s17] =	ssyncset.done $0x0  }
0xa4: {  	s1 =	rddreg [dreg:$0x7];
	[sflag:s17] =	ssyncadd.s32 $0xFFFFF3C0  }
0xa5: {  	[hbm4b:s1+s5] =	stream.linear.scatter [tilespmem:s21], [sflag:$0x1], $0xC40, $0x38;
	[tilespmem:$0x4140] =	vst v63  }
0xa6: {  	_ =	swait.ge [sflag:s17], $0xC40  }
0xa7: {  	[sflag:s17] =	ssyncset.done $0x0  }
0xa8: {  	s19 =	rddreg [dreg:$0x6];
	[sflag:s17] =	ssyncadd.s32 $0xFFFFF3C0  }
0xa9: {  	[tilespmem:s21], [sflag:$0x1] =	stream.linear.gather [spmem:s19], $0xC40, $0x38;
	[tilespmem:$0x4140] =	vst v63  }
0xaa: {  	_ =	swait.ge [sflag:s17], $0xC40  }
0xab: {  	[sflag:s17] =	ssyncset.done $0x0  }
0xac: {  	s30 =	rddreg [dreg:$0x8];
	[sflag:s17] =	ssyncadd.s32 $0xFFFFF3C0  }
0xad: {  	[hbm4b:s30+s5] =	stream.linear.scatter [tilespmem:s21], [sflag:$0x1], $0xC40, $0x38;
	[tilespmem:$0x4140] =	vst v63  }
0xae: {  	_ =	swait.ge [sflag:s17], $0xC40  }
0xaf: {  	s16 =	rddreg [dreg:$0xa]  }
0xb0: {  	s31 =	rddreg [dreg:$0x9];
	s16 =	sadd.s32 $0x1, s16  }
0xb1: {  	p0 =	sne.s32 s16, s31  }
.Ltmp4:
0xb2: {  	_ = 	snop;
	(pc) =	sbr.rel @p0 .LBB2_1-.Ltmp4, $3  }
0xb3: {  	_ =	sdelay $0x1  }
0xb4: {  	[sflag:s17] =	ssyncset.done $0x0  }
0xb5: {  	[sflag:s17] =	ssyncadd.s32 $0xFFFFF3C0  }
0xb6: {  	_ =	sfence.sel $0x180000  }
0xb7: {  	[bflag:$0x0] =	sbarrier.arrive $0xFFFF  }
0xb8: {  	_ =	strace $0x90000047  }
0xb9: {  	s0 =	stileid.u32;
	[bflag:$0x2] =	sbarrier.arrive $0xFFFF  }
0xba: {  	p0 =	sne.s32 s0, $0x0;
	s0 =	rddreg [dreg:$0x4]  }
0xbb: {  	s0 =	sadd.s32 @!p0 $0x100000, s0  }
0xbc: {  	[sflag:s0] =	ssyncadd.tile.s32 @!p0 $0x1;
	_ =	shalt  }
.Lfunc_end2:
_tile_overlayer_lowered:
.L_overlay_start_2:
0xbd: {  	(tag) =	ssettag $0x2  }
0xbe: {  	s0 =	rddreg [dreg:$0x0];
	s2 =	stileid.u32  }
0xbf: {  	s1 =	rddreg [dreg:$0x1];
	p0 =	sne.s32 s2, $0x0  }
0xc0: {  	s3 =	rddreg [dreg:$0x2];
	[bflag:$0x3] =	sbarrier.arrive $0xFFFF;
	s2 =	simm.s32 @!p0 $0x1C01  }
0xc1: {  	[timem:s3], [sflag:s2] =	dma.local @!p0 [hbm:s0], s1  }
0xc2: {  	s0 =	simm.s32 @!p0 $0x1  }
0xc3: {  	_ =	swait.ge @!p0 [sflag:s0], s1  }
0xc4: {  	s1 =	ssub.s32 @!p0 $0x0, s1;
	[sflag:s0] =	ssyncset.done @!p0 $0x0  }
0xc5: {  	[sflag:s0] =	ssyncadd.s32 @!p0 s1  }
0xc6: {  	[bflag:$0x3] =	sbarrier.arrive $0xFFFF  }
0xc7: {  	_ =	shalt  }

// kernel: kernel.9.cloned.1.call-start
scs
__scs_entry_jumppad:
0x0: {  	(pc) =	sbr.rel $0x88, $3  }
0x1: {  	(tag) =	ssettag $0x0;
	lr =	simm.s32 $0x1  }
0x2: {  	[smem:$0x3F9C] =	sst lr;
	_ =	strace $0xD0000000  }
0x3: {  	_ = 	snop  }
0x4: {  	_ = 	snop  }
0x5: {  	_ = 	snop  }
0x6: {  	_ = 	snop  }
0x7: {  	_ = 	snop  }
__scs_overlays_trampoline_lowered:
0x8: {  	[smem:$0x3FAB] =	sst s0  }
0x9: {  	[smem:$0x3FAC] =	sst s1  }
0xa: {  	[smem:$0x3FAD] =	sst s2  }
0xb: {  	[smem:$0x3FAE] =	sst s3  }
0xc: {  	[smem:$0x3FAF] =	sst s4  }
0xd: {  	[smem:$0x3FB0] =	sst s5  }
0xe: {  	[smem:$0x3FB1] =	sst s6  }
0xf: {  	[smem:$0x3FB2] =	sst s7  }
0x10: {  	[smem:$0x3FB3] =	sst s8  }
0x11: {  	[smem:$0x3FB4] =	sst s9;
	s0 =	simm.s32 @!p0 $0x0  }
0x12: {  	s1 =	sld [smem:$0x3F9A];
	s0 =	simm.s32 @p0 $0x1  }
0x13: {  	[smem:$0x3FB5] =	sst s0;
	s0 =	simm.s32 @!p1 $0x0  }
0x14: {  	s2 =	sld [smem:$0x3F99];
	s0 =	simm.s32 @p1 $0x1  }
0x15: {  	[smem:$0x3FB6] =	sst s0;
	s0 =	simm.s32 @!p2 $0x0  }
0x16: {  	s3 =	sld [smem:$0x3FDB];
	s0 =	simm.s32 @p2 $0x1  }
0x17: {  	s4 =	simm.s32 $0x1BF5;
	[smem:$0x3FB8] =	sst s0  }
0x18: {  	s0 =	sld [smem:$0x3F9B];
	_ =	swait.ge [sflag:s4], $0x0  }
0x19: {  	s7 =	sld [smem:$0x3F9C]  }
0x1a: {  	s8 =	sadd.s32 $0xFFFFE003, lr  }
0x1b: {  	s9 =	sadd.s32 $0xFFFFFEF7, lr;
	s5 =	simm.s32 $0xFFFFFFFF;
	p2 =	slt.u32 s8, $0xFFFFF086  }
0x1c: {  	p1 =	slt.u32 s9, $0xF7A;
	s5 =	simm.s32 @!p2 $0x0  }
0x1d: {  	s5 =	simm.s32 @p1 $0x1;
	p0 =	seq.s32 s7, s2  }
0x1e: {  	s7 =	smul.u32 @!p0 $0xF7A, s2;
	p2 =	seq.s32 @!p0 s5, $0x0  }
0x1f: {  	s9 =	smul.u32 $0xF7A, s1;
	s8 =	simm.s32 @!p0 $0x1BF5;
	p2 =	por !p2, p0  }
0x20: {  	[sflag:s8] =	ssyncset.s32 @!p0 $0xFFFFF086;
	s6 =	sadd.s32 @!p0 s3, s7;
	s7 =	simm.s32 @!p0 $0x108  }
0x21: {  	s3 =	sadd.s32 s3, s9;
	s6 =	sadd.s32 @!p0 $0x88, s6;
	s7 =	simm.s32 @p2 $0x1082  }
0x22: {  	[simem:s7], [sflag:s8] =	dma.local @!p0 [hbm:s6], $0xF7A  }
0x23: {  	s9 =	sor.u32 $0xD0000000, s2;
	s6 =	simm.s32 $0x108;
	_ =	swait.ge @!p0 [sflag:s8], $0x0  }
0x24: {  	s3 =	sadd.s32 $0x88, s3;
	s6 =	simm.s32 @!p1 $0x1082;
	[sflag:s4] =	ssyncset.s32 $0xFFFFF086  }
0x25: {  	[simem:s6], [sflag:s4] =	dma.local [hbm:s3], $0xF7A  }
0x26: {  	[smem:$0x3F9C] =	sst s1;
	(tag) =	ssettag s2;
	_ =	strace s9  }
0x27: {  	s1 =	sld [smem:$0x3FAC]  }
0x28: {  	s2 =	sld [smem:$0x3FAD]  }
0x29: {  	s4 =	sld [smem:$0x3FAF]  }
0x2a: {  	p0 =	seq.s32 s5, $0x0;
	s5 =	sld [smem:$0x3FB0]  }
0x2b: {  	s6 =	sld [smem:$0x3FB1]  }
0x2c: {  	s7 =	sld [smem:$0x3FB2]  }
0x2d: {  	s3 =	simm.s32 $0x108;
	s8 =	sld [smem:$0x3FB3]  }
0x2e: {  	s3 =	simm.s32 @!p0 $0x1082;
	s9 =	sld [smem:$0x3FB4]  }
0x2f: {  	lr =	sadd.s32 s0, s3;
	s0 =	sld [smem:$0x3FAB]  }
0x30: {  	s3 =	sld [smem:$0x3FAE]  }
0x31: {  	[smem:$0x3FB7] =	sst s10  }
0x32: {  	s10 =	sld [smem:$0x3FB5];
	_ =	sdelay $0x3  }
0x33: {  	p0 =	seq.s32 s10, $0x1;
	s10 =	sld [smem:$0x3FB7];
	_ =	sdelay $0x3  }
0x34: {  	[smem:$0x3FB7] =	sst s10  }
0x35: {  	s10 =	sld [smem:$0x3FB6];
	_ =	sdelay $0x3  }
0x36: {  	p1 =	seq.s32 s10, $0x1;
	s10 =	sld [smem:$0x3FB7];
	_ =	sdelay $0x3  }
0x37: {  	[smem:$0x3FB7] =	sst s10  }
0x38: {  	s10 =	sld [smem:$0x3FB8]  }
0x39: {  	_ = 	snop;
	(pc) =	sbr.ind lr, $3  }
0x3a: {  	_ = 	snop  }
0x3b: {  	_ = 	snop  }
0x3c: {  	p2 =	seq.s32 s10, $0x1;
	s10 =	sld [smem:$0x3FB7]  }
0x3d: {  	_ =	shalt  }
0x3e: {  	_ =	shalt  }
0x3f: {  	_ =	shalt  }
0x40: {  	_ =	shalt  }
0x41: {  	_ =	shalt  }
0x42: {  	_ =	shalt  }
0x43: {  	_ =	shalt  }
0x44: {  	_ =	shalt  }
0x45: {  	_ =	shalt  }
0x46: {  	_ =	shalt  }
0x47: {  	_ =	shalt  }
0x48: {  	_ =	shalt  }
0x49: {  	_ =	shalt  }
0x4a: {  	_ =	shalt  }
0x4b: {  	_ =	shalt  }
0x4c: {  	_ =	shalt  }
0x4d: {  	_ =	shalt  }
0x4e: {  	_ =	shalt  }
0x4f: {  	_ =	shalt  }
0x50: {  	_ =	shalt  }
0x51: {  	_ =	shalt  }
0x52: {  	_ =	shalt  }
0x53: {  	_ =	shalt  }
0x54: {  	_ =	shalt  }
0x55: {  	_ =	shalt  }
0x56: {  	_ =	shalt  }
0x57: {  	_ =	shalt  }
0x58: {  	_ =	shalt  }
0x59: {  	_ =	shalt  }
0x5a: {  	_ =	shalt  }
0x5b: {  	_ =	shalt  }
0x5c: {  	_ =	shalt  }
0x5d: {  	_ =	shalt  }
0x5e: {  	_ =	shalt  }
0x5f: {  	_ =	shalt  }
0x60: {  	_ =	shalt  }
0x61: {  	_ =	shalt  }
0x62: {  	_ =	shalt  }
0x63: {  	_ =	shalt  }
0x64: {  	_ =	shalt  }
0x65: {  	_ =	shalt  }
0x66: {  	_ =	shalt  }
0x67: {  	_ =	shalt  }
0x68: {  	_ =	shalt  }
0x69: {  	_ =	shalt  }
0x6a: {  	_ =	shalt  }
0x6b: {  	_ =	shalt  }
0x6c: {  	_ =	shalt  }
0x6d: {  	_ =	shalt  }
0x6e: {  	_ =	shalt  }
0x6f: {  	_ =	shalt  }
0x70: {  	_ =	shalt  }
0x71: {  	_ =	shalt  }
0x72: {  	_ =	shalt  }
0x73: {  	_ =	shalt  }
0x74: {  	_ =	shalt  }
0x75: {  	_ =	shalt  }
0x76: {  	_ =	shalt  }
0x77: {  	_ =	shalt  }
0x78: {  	_ =	shalt  }
0x79: {  	_ =	shalt  }
0x7a: {  	_ =	shalt  }
0x7b: {  	_ =	shalt  }
0x7c: {  	_ =	shalt  }
0x7d: {  	_ =	shalt  }
0x7e: {  	_ =	shalt  }
0x7f: {  	_ =	shalt  }
0x80: {  	_ =	shalt  }
0x81: {  	_ =	shalt  }
0x82: {  	_ =	shalt  }
0x83: {  	_ =	shalt  }
0x84: {  	_ =	shalt  }
0x85: {  	_ =	shalt  }
0x86: {  	_ =	shalt  }
0x87: {  	_ =	shalt  }
.Lfunc_end0:
.L_simem_size_0:
called_computation.1_lowered:
.L_overlay_start_0:
0x88: {  	s2 =	sld [smem:$0x3FD9]  }
0x89: {  	s3 =	sld [smem:$0x3FFE];
	_ =	sdelay $0x1  }
0x8a: {  	s1 =	srdreg.scid  }
0x8b: {  	s0 =	sand.u32 $0x1, s1  }
0x8c: {  	s17 =	sshll.u32 s0, $0xA;
	s2 =	sadd.s32 s3, s2  }
0x8d: {  	s2 =	sadd.s32 s2, s17  }
0x8e: {  	[smem:$0x3FC3] =	sst s2  }
0x8f: {  	_ = 	snop  }
0x90: {  	s2 =	sld [smem:$0x3FD0];
	(tm) =	ssettm $0x1  }
0x91: {  	s18 =	sld [smem:$0x3FFB];
	_ =	sdelay $0x3  }
0x92: {  	_ =	strace s18  }
0x93: {  	s3 =	sld [smem:$0x3FFC];
	_ =	sdelay $0x3  }
0x94: {  	_ =	strace s3  }
0x95: {  	s3 =	sld [smem:$0x3FFD];
	_ =	sdelay $0x3  }
0x96: {  	_ =	strace s3  }
0x97: {  	_ =	strace $0x8FFFFFFF  }
0x98: {  	s19 =	sld [smem:$0x3FDB];
	_ =	sdelay $0x1  }
0x99: {  	s4 =	simm.s32 $_scs_section_size  }
0x9a: {  	s5 =	simm.s32 $_size__tile_overlayer_lowered;
	s6 =	simm.s32 $_tile_overlayer_lowered  }
0x9b: {  	s22 =	simm.s32 $0x1BFF;
	s21 =	sshll.u32 s6, $0x1;
	s3 =	sadd.s32 s4, s19  }
0x9c: {  	s7 =	simm.s32 $0x0;
	s20 =	sshll.u32 s5, $0x1;
	s5 =	sadd.s32 s21, s3  }
0x9d: {  	[timem:s7], [sflag:s22] =	dma.local [hbm:s5], s20  }
0x9e: {  	_ =	swait.ge [sflag:s22], s20  }
0x9f: {  	s4 =	ssub.s32 $0x0, s20;
	[sflag:s22] =	ssyncset.done $0x0  }
0xa0: {  	[sflag:s22] =	ssyncadd.s32 s4;
	_ =	sdelay $0x1  }
0xa1: {  	s23 =	simm.s32 $0x1B8B  }
0xa2: {  	_ =	swait.ge [sflag:s23], $0x1  }
0xa3: {  	[sflag:s23] =	ssyncset.done $0x0  }
0xa4: {  	s25 =	simm.s32 $0x1B8E;
	s24 =	sld [smem:$0x3FFE];
	[sflag:s23] =	ssyncadd.s32 $0xFFFFFFFF  }
0xa5: {  	s26 =	simm.s32 $execute0_lowered;
	[smem:$0x3FD2] =	sst s25  }
0xa6: {  	s5 =	sshll.u32 s26, $0x1;
	_ =	strace $0x80000049;
	[dreg:$0x1] =	wrdreg $0xFFFFFFFF  }
0xa7: {  	s28 =	simm.s32 $_size_execute0_lowered;
	s3 =	sadd.s32 s3, s5;
	[dreg:$0x0] =	wrdreg $0x0  }
0xa8: {  	s5 =	sshll.u32 s28, $0x1;
	[dreg:$0x2] =	wrdreg s3  }
0xa9: {  	[dreg:$0x3] =	wrdreg s5  }
0xaa: {  	[dreg:$0x4] =	wrdreg $0xC0  }
0xab: {  	_ =	task [dreg:s7], $0x5FFFF  }
0xac: {  	[dreg:$0x1] =	wrdreg $0xFFFFFFFF  }
0xad: {  	[dreg:$0x0] =	wrdreg $0x60  }
0xae: {  	[dreg:$0x2] =	wrdreg s24  }
0xaf: {  	[dreg:$0x3] =	wrdreg s2  }
0xb0: {  	[dreg:$0x4] =	wrdreg $0x60800  }
0xb1: {  	[dreg:$0x5] =	wrdreg $0x9  }
0xb2: {  	_ =	task.clear_ibuf [dreg:s7], $0x6FFFF;
	_ =	strace $0x90000049  }
0xb3: {  	s29 =	simm.s32 $0x9;
	_ =	strace $0x8000004B  }
0xb4: {  	_ =	swait.ge [sflag:s29], $0x1  }
0xb5: {  	[sflag:s29] =	ssyncadd.s32 $0xFFFFFFFF  }
0xb6: {  	_ =	strace $0x9000004B  }
0xb7: {  	_ =	sfence  }
0xb8: {  	s30 =	sld [smem:$0x0];
	_ =	sdelay $0x2  }
0xb9: {  	s31 =	sshll.u32 s1, $0xD;
	s1 =	sshrl.u32 s1, $0x2  }
0xba: {  	s3 =	sand.u32 $0x4000, s31;
	s1 =	sadd.s32 s1, s30  }
0xbb: {  	s0 =	sor.u32 s3, s0;
	s1 =	sshll.u32 s1, $0x11  }
0xbc: {  	s0 =	sor.u32 s1, s0  }
0xbd: {  	s0 =	sadd.s32 $0x8F2B, s0  }
0xbe: {  	[sflag:s0] =	ssyncadd.remote.s32 $0x1  }
0xbf: {  	_ =	sfence.sel $0xFFFF  }
0xc0: {  	[dreg:$0x0] =	wrdreg $0xFFFFFFFF;
	(pc) =	sbr.abs _section_cstart, $3  }
0xc1: {  	[dreg:$0x1] =	wrdreg $0xFFFFFFFF  }
0xc2: {  	_ =	task.clear_ibuf [dreg:s7], $0x2FFFF;
	_ =	strace $0x9FFFFFFF  }
0xc3: {  	(tm) =	ssettm $0x7FFFFFFF  }
tec
execute0_lowered:
.L_overlay_start_1:
0x0: {  	(tag) =	ssettag $0x1  }
0x1: {  	s0 =	rddreg [dreg:$0x0]  }
0x2: {  	s1 =	rddreg [dreg:$0x1]  }
0x3: {  	s3 =	srdreg.scid;
	s2 =	rddreg [dreg:$0x2]  }
0x4: {  	s23 =	stileid.u32;
	s17 =	simm.s32 $0x0;
	s22 =	simm.s32 $0x100  }
0x5: {  	s24 =	simm.s32 $0x180;
	s26 =	simm.s32 $0x200;
	s28 =	simm.s32 $0xD  }
0x6: {  	s29 =	simm.s32 $0xE;
	s30 =	simm.s32 $0xF;
	s31 =	simm.s32 $0x10  }
0x7: {  	s4 =	sand.u32 $0x1, s3;
	s6 =	smul.u32 $0x2800, s23;
	[smem:$0x7FF] =	sst s17  }
0x8: {  	s7 =	smul.u32 $0xC40, s23;
	_ =	strace $0x8000004A;
	[dreg:$0x6] =	wrdreg s22  }
0x9: {  	s12 =	smul.u32 $0x18800, s23;
	s3 =	simm.s32 $0x280;
	[dreg:$0x7] =	wrdreg s24  }
0xa: {  	s5 =	smul.u32 $0x28000, s4;
	s18 =	ssub.s32 $0x2, s4;
	[dreg:$0x8] =	wrdreg s26  }
0xb: {  	s15 =	smul.u32 $0x188000, s4;
	[dreg:$0x9] =	wrdreg s3;
	s22 =	simm.s32 $0x580  }
0xc: {  	s24 =	simm.s32 $0x600;
	s19 =	sshrl.u32 s18, $0x1;
	s13 =	sadd.s32 $0x188, s7  }
0xd: {  	s10 =	sadd.s32 $0x310, s7;
	s8 =	sadd.s32 $0x498, s7;
	[dreg:$0xe] =	wrdreg s22  }
0xe: {  	s9 =	sadd.s32 $0x620, s7;
	s4 =	sadd.s32 $0x930, s7;
	[dreg:$0xf] =	wrdreg s24  }
0xf: {  	s24 =	simm.s32 $0x780;
	s5 =	sadd.s32 s6, s5;
	s11 =	ssub.s32 s18, s19  }
0x10: {  	s6 =	sadd.s32 $0x7A8, s7;
	s20 =	sadd.s32 s15, s12;
	s7 =	sadd.s32 $0xAB8, s7  }
0x11: {  	s18 =	simm.s32 $0x300;
	s19 =	simm.s32 $0x380;
	[dreg:$0x12] =	wrdreg s24  }
0x12: {  	s24 =	sshll.u32 s10, $0x4;
	s5 =	sshrl.u32 s5, $0x3;
	[dreg:$0xa] =	wrdreg s18  }
0x13: {  	s16 =	sshrl.u32 s20, $0x4;
	[dreg:$0xb] =	wrdreg s19;
	s20 =	simm.s32 $0x480  }
0x14: {  	s22 =	sshll.u32 s7, $0x5;
	s11 =	smax.u32 s11, $0x1;
	[dreg:$0xc] =	wrdreg s20  }
0x15: {  	s14 =	sadd.s32 s5, s0;
	s16 =	sadd.s32 s1, s16;
	[dreg:$0x1d] =	wrdreg s11  }
0x16: {  	s5 =	sshll.u32 s13, $0x5;
	[dreg:$0x13] =	wrdreg s16;
	s17 =	sadd.s32 $0x25800, s14  }
0x17: {  	s21 =	sadd.s32 s15, s5;
	s14 =	sadd.s32 $0x1B800, s14;
	[dreg:$0x4] =	wrdreg s17  }
0x18: {  	s20 =	sshll.u32 s4, $0x5;
	s16 =	sshrl.u32 s21, $0x4;
	[dreg:$0x5] =	wrdreg s14  }
0x19: {  	s14 =	sshll.u32 s10, $0x5;
	s21 =	simm.s32 $0x500;
	s10 =	sshll.u32 s7, $0x4  }
0x1a: {  	s16 =	sadd.s32 s1, s16;
	s25 =	sadd.s32 s15, s14;
	[dreg:$0xd] =	wrdreg s21  }
0x1b: {  	s21 =	sadd.s32 s15, s20;
	s11 =	sadd.s32 s10, s2;
	[dreg:$0x14] =	wrdreg s16  }
0x1c: {  	s17 =	sshrl.u32 s25, $0x4;
	s25 =	simm.s32 $0x680;
	s16 =	sshll.u32 s6, $0x5  }
0x1d: {  	s3 =	sshrl.u32 s21, $0x4;
	[smem:$0x7F6] =	sst s11;
	s17 =	sadd.s32 s1, s17  }
0x1e: {  	s21 =	simm.s32 $0x700;
	[dreg:$0x15] =	wrdreg s17;
	s17 =	sshll.u32 s8, $0x5  }
0x1f: {  	[dreg:$0x10] =	wrdreg s25;
	s26 =	sadd.s32 s15, s16;
	s18 =	sadd.s32 s15, s17  }
0x20: {  	[dreg:$0x11] =	wrdreg s21;
	s25 =	sshrl.u32 s12, $0x1;
	s18 =	sshrl.u32 s18, $0x4  }
0x21: {  	s12 =	sadd.s32 $0x2FC00, s0;
	s0 =	sadd.s32 $0x2F800, s0;
	s18 =	sadd.s32 s1, s18  }
0x22: {  	s21 =	sshll.u32 s13, $0x4;
	[dreg:$0x16] =	wrdreg s18;
	s18 =	sshll.u32 s9, $0x5  }
0x23: {  	s13 =	sshrl.u32 s5, $0x1;
	s5 =	simm.s32 $0x80;
	s19 =	sadd.s32 s15, s18  }
0x24: {  	[dreg:$0x1b] =	wrdreg s0;
	s15 =	sadd.s32 s15, s22;
	s19 =	sshrl.u32 s19, $0x4  }
0x25: {  	s17 =	sshrl.u32 s17, $0x1;
	s15 =	sshrl.u32 s15, $0x4;
	s19 =	sadd.s32 s1, s19  }
0x26: {  	[dreg:$0x17] =	wrdreg s19;
	s19 =	sshrl.u32 s26, $0x4;
	s26 =	smul.u32 $0x31000, s23  }
0x27: {  	s23 =	sadd.s32 s21, s2;
	s21 =	sshrl.u32 s18, $0x1;
	s18 =	simm.s32 $0x4  }
0x28: {  	s19 =	sadd.s32 s1, s19;
	[dreg:$0x1f] =	wrdreg s23;
	s23 =	sshrl.u32 s16, $0x1  }
0x29: {  	s16 =	simm.s32 $0x4000;
	[dreg:$0x18] =	wrdreg s19;
	s19 =	sadd.s32 s1, s3  }
0x2a: {  	s1 =	sadd.s32 s1, s15;
	s3 =	sadd.s32 s25, s2;
	[dreg:$0x19] =	wrdreg s19  }
0x2b: {  	s25 =	sshll.u32 s8, $0x4;
	s8 =	sshll.u32 s6, $0x4;
	[dreg:$0x1a] =	wrdreg s1  }
0x2c: {  	s15 =	sshrl.u32 s14, $0x1;
	[dreg:$0x1c] =	wrdreg s3;
	s19 =	sshrl.u32 s26, $0x2  }
0x2d: {  	s26 =	sshll.u32 s9, $0x4;
	s9 =	sshll.u32 s4, $0x4;
	s0 =	sadd.s32 s19, s2  }
0x2e: {  	s4 =	simm.s32 $0x4800;
	s3 =	sadd.s32 s26, s2;
	[dreg:$0x1e] =	wrdreg s0  }
0x2f: {  	s1 =	simm.s32 $0x11;
	s19 =	sadd.s32 s17, s2;
	[smem:$0x7F3] =	sst s3  }
0x30: {  	s26 =	sshrl.u32 s22, $0x1;
	s0 =	sadd.s32 s24, s2;
	[smem:$0x7F9] =	sst s19  }
0x31: {  	s24 =	sshrl.u32 s20, $0x1;
	[smem:$0x7F1] =	sst s0;
	s0 =	sadd.s32 s25, s2  }
0x32: {  	s17 =	simm.s32 $0x3;
	s25 =	sadd.s32 s24, s2;
	[smem:$0x7F2] =	sst s0  }
0x33: {  	s22 =	simm.s32 $0x8;
	s0 =	sadd.s32 s8, s2;
	[smem:$0x7FC] =	sst s25  }
0x34: {  	s19 =	simm.s32 $0x5;
	[smem:$0x7F4] =	sst s0;
	s0 =	sadd.s32 s9, s2  }
0x35: {  	s20 =	simm.s32 $0x6;
	[smem:$0x7F5] =	sst s0;
	s0 =	sadd.s32 s13, s2  }
0x36: {  	s3 =	simm.s32 $0x0;
	[smem:$0x7F7] =	sst s0;
	s0 =	sadd.s32 s15, s2  }
0x37: {  	s24 =	simm.s32 $0xA;
	[smem:$0x7F8] =	sst s0;
	s0 =	sadd.s32 s21, s2  }
0x38: {  	s25 =	simm.s32 $0xB;
	[smem:$0x7FA] =	sst s0;
	s0 =	sadd.s32 s23, s2  }
0x39: {  	s21 =	simm.s32 $0x7;
	[smem:$0x7FB] =	sst s0;
	s0 =	sadd.s32 s26, s2  }
0x3a: {  	s23 =	simm.s32 $0x9;
	s26 =	simm.s32 $0xC;
	[smem:$0x7FD] =	sst s0  }
.LBB2_1:
0x3b: {  	[smem:$0x7F0] =	sst s3  }
0x3c: {  	s0 =	rddreg [dreg:$0x1b];
	s3 =	simm.s32 $0x0  }
0x3d: {  	[tilespmem:s4], [sflag:$0x11] =	stream.linear.gather [hbm4b:s0+s3], $0x1880, $0x38;
	[tilespmem:$0x12480] =	vst v63  }
0x3e: {  	_ =	swait.ge [sflag:s1], $0x1880  }
0x3f: {  	[sflag:s1] =	ssyncset.done $0x0  }
0x40: {  	s13 =	rddreg [dreg:$0x1e];
	[sflag:s1] =	ssyncadd.s32 $0xFFFFE780  }
0x41: {  	[spmem:s13] =	stream.linear.scatter [tilespmem:s4], [sflag:$0x11], $0x1880, $0x38;
	[tilespmem:$0x12480] =	vst v63  }
0x42: {  	_ =	swait.ge [sflag:s1], $0x1880  }
0x43: {  	[sflag:s1] =	ssyncset.done $0x0  }
0x44: {  	s14 =	rddreg [dreg:$0x1f];
	[sflag:s1] =	ssyncadd.s32 $0xFFFFE780  }
0x45: {  	[spmem:s14] =	stream.linear.scatter [tilespmem:s4], [sflag:$0x11], $0x1880, $0x38;
	[tilespmem:$0x12480] =	vst v63  }
0x46: {  	_ =	swait.ge [sflag:s1], $0x1880  }
0x47: {  	s15 =	sld [smem:$0x7F1]  }
0x48: {  	[sflag:s1] =	ssyncset.done $0x0  }
0x49: {  	[sflag:s1] =	ssyncadd.s32 $0xFFFFE780  }
0x4a: {  	[spmem:s15] =	stream.linear.scatter [tilespmem:s4], [sflag:$0x11], $0x1880, $0x38;
	[tilespmem:$0x12480] =	vst v63  }
0x4b: {  	_ =	swait.ge [sflag:s1], $0x1880  }
0x4c: {  	s6 =	sld [smem:$0x7F2]  }
0x4d: {  	[sflag:s1] =	ssyncset.done $0x0  }
0x4e: {  	[sflag:s1] =	ssyncadd.s32 $0xFFFFE780  }
0x4f: {  	[spmem:s6] =	stream.linear.scatter [tilespmem:s4], [sflag:$0x11], $0x1880, $0x38;
	[tilespmem:$0x12480] =	vst v63  }
0x50: {  	_ =	swait.ge [sflag:s1], $0x1880  }
0x51: {  	s7 =	sld [smem:$0x7F3]  }
0x52: {  	[sflag:s1] =	ssyncset.done $0x0  }
0x53: {  	[sflag:s1] =	ssyncadd.s32 $0xFFFFE780  }
0x54: {  	[spmem:s7] =	stream.linear.scatter [tilespmem:s4], [sflag:$0x11], $0x1880, $0x38;
	[tilespmem:$0x12480] =	vst v63  }
0x55: {  	_ =	swait.ge [sflag:s1], $0x1880  }
0x56: {  	s8 =	sld [smem:$0x7F4]  }
0x57: {  	[sflag:s1] =	ssyncset.done $0x0  }
0x58: {  	[sflag:s1] =	ssyncadd.s32 $0xFFFFE780  }
0x59: {  	[spmem:s8] =	stream.linear.scatter [tilespmem:s4], [sflag:$0x11], $0x1880, $0x38;
	[tilespmem:$0x12480] =	vst v63  }
0x5a: {  	_ =	swait.ge [sflag:s1], $0x1880  }
0x5b: {  	s9 =	sld [smem:$0x7F5]  }
0x5c: {  	[sflag:s1] =	ssyncset.done $0x0  }
0x5d: {  	[sflag:s1] =	ssyncadd.s32 $0xFFFFE780  }
0x5e: {  	[spmem:s9] =	stream.linear.scatter [tilespmem:s4], [sflag:$0x11], $0x1880, $0x38;
	[tilespmem:$0x12480] =	vst v63  }
0x5f: {  	_ =	swait.ge [sflag:s1], $0x1880  }
0x60: {  	s10 =	sld [smem:$0x7F6]  }
0x61: {  	[sflag:s1] =	ssyncset.done $0x0  }
0x62: {  	[sflag:s1] =	ssyncadd.s32 $0xFFFFE780  }
0x63: {  	[spmem:s10] =	stream.linear.scatter [tilespmem:s4], [sflag:$0x11], $0x1880, $0x38;
	[tilespmem:$0x12480] =	vst v63  }
0x64: {  	_ =	swait.ge [sflag:s1], $0x1880  }
0x65: {  	[sflag:s1] =	ssyncset.done $0x0  }
0x66: {  	[sflag:s1] =	ssyncadd.s32 $0xFFFFE780  }
0x67: {  	[bflag:$0x0] =	sbarrier.arrive $0xFFFF  }
0x68: {  	s11 =	rddreg [dreg:$0x5]  }
0x69: {  	s0 =	sadd.s32 $0x0, s11  }
0x6a: {  	[tilespmem:s3], [sflag:$0x11] =	stream.linear.gather [hbm4b:s0+s3], $0x400, $0x38;
	[tilespmem:$0x12480] =	vst v63  }
0x6b: {  	_ =	swait.ge [sflag:s1], $0x400  }
0x6c: {  	s13 =	rddreg [dreg:$0x4];
	[sflag:s1] =	ssyncset.done $0x0  }
0x6d: {  	s6 =	simm.s32 $0x400;
	[sflag:s1] =	ssyncadd.s32 $0xFFFFFC00;
	s0 =	sadd.s32 $0x0, s13  }
0x6e: {  	[tilespmem:s6], [sflag:$0x11] =	stream.linear.gather [hbm4b:s0+s3], $0x400, $0x38;
	[tilespmem:$0x12480] =	vst v63  }
0x6f: {  	_ =	swait.ge [sflag:s1], $0x400  }
0x70: {  	[sflag:s1] =	ssyncset.done $0x0  }
0x71: {  	s7 =	simm.s32 $0x800;
	[sflag:s1] =	ssyncadd.s32 $0xFFFFFC00  }
0x72: {  	[tilespmem:s7], [sflag:$0x1] =	stream.indirect.gather [hbm4b:s12+s5], $0x10, s3, s5, $0xb8;
	[tilespmem:$0x12480] =	vst v63  }
0x73: {  	s8 =	simm.s32 $0x1000  }
0x74: {  	[tilespmem:s8], [sflag:$0x2] =	stream.indirect.gather [hbm4b:s12+s5], $0x10, s5, s5, $0xb8;
	[tilespmem:$0x12480] =	vst v63  }
0x75: {  	s9 =	simm.s32 $0x1800;
	s14 =	rddreg [dreg:$0x6]  }
0x76: {  	[tilespmem:s9], [sflag:$0x3] =	stream.indirect.gather [hbm4b:s12+s5], $0x10, s14, s5, $0xb8;
	[tilespmem:$0x12480] =	vst v63  }
0x77: {  	s10 =	simm.s32 $0x2000;
	s15 =	rddreg [dreg:$0x7]  }
0x78: {  	[tilespmem:s10], [sflag:$0x4] =	stream.indirect.gather [hbm4b:s12+s5], $0x10, s15, s5, $0xb8;
	[tilespmem:$0x12480] =	vst v63  }
0x79: {  	s11 =	simm.s32 $0x2800;
	s3 =	rddreg [dreg:$0x8]  }
0x7a: {  	[tilespmem:s11], [sflag:$0x5] =	stream.indirect.gather [hbm4b:s12+s5], $0x10, s3, s5, $0xb8;
	[tilespmem:$0x12480] =	vst v63  }
0x7b: {  	s13 =	rddreg [dreg:$0x9];
	s3 =	simm.s32 $0x3000  }
0x7c: {  	[tilespmem:s3], [sflag:$0x6] =	stream.indirect.gather [hbm4b:s12+s5], $0x10, s13, s5, $0xb8;
	[tilespmem:$0x12480] =	vst v63  }
0x7d: {  	s14 =	rddreg [dreg:$0xa];
	s13 =	simm.s32 $0x3800  }
0x7e: {  	[tilespmem:s13], [sflag:$0x7] =	stream.indirect.gather [hbm4b:s12+s5], $0x10, s14, s5, $0xb8;
	[tilespmem:$0x12480] =	vst v63  }
0x7f: {  	s15 =	rddreg [dreg:$0xb];
	s14 =	simm.s32 $0x4000  }
0x80: {  	[tilespmem:s14], [sflag:$0x8] =	stream.indirect.gather [hbm4b:s12+s5], $0x10, s15, s5, $0xb8;
	[tilespmem:$0x12480] =	vst v63  }
0x81: {  	s15 =	simm.s32 $0x1  }
0x82: {  	_ =	swait.ge [sflag:s15], $0x800  }
0x83: {  	[sflag:s15] =	ssyncset.done $0x0  }
0x84: {  	s0 =	simm.s32 $0x2;
	[sflag:s15] =	ssyncadd.s32 $0xFFFFF800  }
0x85: {  	[spmem:s2] =	stream.indirect.scatter.add.bf16 [tilespmem:s7], [sflag:$0x9], $0x10, s6, s5, $0xb8;
	[tilespmem:$0x12480] =	vst v63  }
0x86: {  	_ =	swait.ge [sflag:s0], $0x800  }
0x87: {  	[sflag:s0] =	ssyncset.done $0x0  }
0x88: {  	s6 =	rddreg [dreg:$0xc];
	[sflag:s0] =	ssyncadd.s32 $0xFFFFF800  }
0x89: {  	[spmem:s2] =	stream.indirect.scatter.add.bf16 [tilespmem:s8], [sflag:$0xA], $0x10, s6, s5, $0xb8;
	[tilespmem:$0x12480] =	vst v63  }
0x8a: {  	_ =	swait.ge [sflag:s17], $0x800  }
0x8b: {  	[sflag:s17] =	ssyncset.done $0x0  }
0x8c: {  	s7 =	rddreg [dreg:$0xd];
	[sflag:s17] =	ssyncadd.s32 $0xFFFFF800  }
0x8d: {  	[spmem:s2] =	stream.indirect.scatter.add.bf16 [tilespmem:s9], [sflag:$0xB], $0x10, s7, s5, $0xb8;
	[tilespmem:$0x12480] =	vst v63  }
0x8e: {  	_ =	swait.ge [sflag:s18], $0x800  }
0x8f: {  	[sflag:s18] =	ssyncset.done $0x0  }
0x90: {  	s8 =	rddreg [dreg:$0xe];
	[sflag:s18] =	ssyncadd.s32 $0xFFFFF800  }
0x91: {  	[spmem:s2] =	stream.indirect.scatter.add.bf16 [tilespmem:s10], [sflag:$0xC], $0x10, s8, s5, $0xb8;
	[tilespmem:$0x12480] =	vst v63  }
0x92: {  	_ =	swait.ge [sflag:s19], $0x800  }
0x93: {  	[sflag:s19] =	ssyncset.done $0x0  }
0x94: {  	s9 =	rddreg [dreg:$0xf];
	[sflag:s19] =	ssyncadd.s32 $0xFFFFF800  }
0x95: {  	[spmem:s2] =	stream.indirect.scatter.add.bf16 [tilespmem:s11], [sflag:$0xD], $0x10, s9, s5, $0xb8;
	[tilespmem:$0x12480] =	vst v63  }
0x96: {  	_ =	swait.ge [sflag:s20], $0x800  }
0x97: {  	[sflag:s20] =	ssyncset.done $0x0  }
0x98: {  	s10 =	rddreg [dreg:$0x10];
	[sflag:s20] =	ssyncadd.s32 $0xFFFFF800  }
0x99: {  	[spmem:s2] =	stream.indirect.scatter.add.bf16 [tilespmem:s3], [sflag:$0xE], $0x10, s10, s5, $0xb8;
	[tilespmem:$0x12480] =	vst v63  }
0x9a: {  	_ =	swait.ge [sflag:s21], $0x800  }
0x9b: {  	[sflag:s21] =	ssyncset.done $0x0  }
0x9c: {  	s11 =	rddreg [dreg:$0x11];
	[sflag:s21] =	ssyncadd.s32 $0xFFFFF800  }
0x9d: {  	[spmem:s2] =	stream.indirect.scatter.add.bf16 [tilespmem:s13], [sflag:$0xF], $0x10, s11, s5, $0xb8;
	[tilespmem:$0x12480] =	vst v63  }
0x9e: {  	_ =	swait.ge [sflag:s22], $0x800  }
0x9f: {  	[sflag:s22] =	ssyncset.done $0x0  }
0xa0: {  	s15 =	rddreg [dreg:$0x12];
	[sflag:s22] =	ssyncadd.s32 $0xFFFFF800  }
0xa1: {  	[spmem:s2] =	stream.indirect.scatter.add.bf16 [tilespmem:s14], [sflag:$0x10], $0x10, s15, s5, $0xb8;
	[tilespmem:$0x12480] =	vst v63  }
0xa2: {  	_ =	swait.ge [sflag:s23], $0x800  }
0xa3: {  	[sflag:s23] =	ssyncset.done $0x0  }
0xa4: {  	[sflag:s23] =	ssyncadd.s32 $0xFFFFF800  }
0xa5: {  	_ =	swait.ge [sflag:s24], $0x800  }
0xa6: {  	[sflag:s24] =	ssyncset.done $0x0  }
0xa7: {  	[sflag:s24] =	ssyncadd.s32 $0xFFFFF800  }
0xa8: {  	_ =	swait.ge [sflag:s25], $0x800  }
0xa9: {  	[sflag:s25] =	ssyncset.done $0x0  }
0xaa: {  	[sflag:s25] =	ssyncadd.s32 $0xFFFFF800  }
0xab: {  	_ =	swait.ge [sflag:s26], $0x800  }
0xac: {  	[sflag:s26] =	ssyncset.done $0x0  }
0xad: {  	[sflag:s26] =	ssyncadd.s32 $0xFFFFF800  }
0xae: {  	_ =	swait.ge [sflag:s28], $0x800  }
0xaf: {  	[sflag:s28] =	ssyncset.done $0x0  }
0xb0: {  	[sflag:s28] =	ssyncadd.s32 $0xFFFFF800  }
0xb1: {  	_ =	swait.ge [sflag:s29], $0x800  }
0xb2: {  	[sflag:s29] =	ssyncset.done $0x0  }
0xb3: {  	[sflag:s29] =	ssyncadd.s32 $0xFFFFF800  }
0xb4: {  	_ =	swait.ge [sflag:s30], $0x800  }
0xb5: {  	[sflag:s30] =	ssyncset.done $0x0  }
0xb6: {  	[sflag:s30] =	ssyncadd.s32 $0xFFFFF800  }
0xb7: {  	s4 =	simm.s32 $0x100;
	_ =	swait.ge [sflag:s31], $0x800  }
0xb8: {  	s0 =	simm.s32 $0x80;
	s6 =	rddreg [dreg:$0x5];
	[sflag:s31] =	ssyncset.done $0x0  }
.LBB2_2:
0xb9: {  	[sflag:s31] =	ssyncadd.s32 $0xFFFFF800;
	s6 =	sadd.s32 s0, s6;
	s3 =	simm.s32 $0x0  }
0xba: {  	[tilespmem:s3], [sflag:$0x11] =	stream.linear.gather [hbm4b:s6+s3], $0x400, $0x38;
	[tilespmem:$0x12480] =	vst v63  }
0xbb: {  	_ =	swait.ge [sflag:s1], $0x400  }
0xbc: {  	s13 =	rddreg [dreg:$0x4];
	[sflag:s1] =	ssyncset.done $0x0  }
0xbd: {  	s8 =	simm.s32 $0x400;
	[sflag:s1] =	ssyncadd.s32 $0xFFFFFC00;
	s6 =	sadd.s32 s0, s13  }
0xbe: {  	[tilespmem:s8], [sflag:$0x11] =	stream.linear.gather [hbm4b:s6+s3], $0x400, $0x38;
	[tilespmem:$0x12480] =	vst v63  }
0xbf: {  	_ =	swait.ge [sflag:s1], $0x400  }
0xc0: {  	[sflag:s1] =	ssyncset.done $0x0  }
0xc1: {  	s9 =	simm.s32 $0x800;
	[sflag:s1] =	ssyncadd.s32 $0xFFFFFC00  }
0xc2: {  	[tilespmem:s9], [sflag:$0x1] =	stream.indirect.gather [hbm4b:s12+s5], $0x10, s3, s5, $0xb8;
	[tilespmem:$0x12480] =	vst v63  }
0xc3: {  	s10 =	simm.s32 $0x1000  }
0xc4: {  	[tilespmem:s10], [sflag:$0x2] =	stream.indirect.gather [hbm4b:s12+s5], $0x10, s5, s5, $0xb8;
	[tilespmem:$0x12480] =	vst v63  }
0xc5: {  	s11 =	simm.s32 $0x1800;
	s14 =	rddreg [dreg:$0x6]  }
0xc6: {  	[tilespmem:s11], [sflag:$0x3] =	stream.indirect.gather [hbm4b:s12+s5], $0x10, s14, s5, $0xb8;
	[tilespmem:$0x12480] =	vst v63  }
0xc7: {  	s13 =	simm.s32 $0x2000;
	s15 =	rddreg [dreg:$0x7]  }
0xc8: {  	[tilespmem:s13], [sflag:$0x4] =	stream.indirect.gather [hbm4b:s12+s5], $0x10, s15, s5, $0xb8;
	[tilespmem:$0x12480] =	vst v63  }
0xc9: {  	s3 =	rddreg [dreg:$0x8];
	s14 =	simm.s32 $0x2800  }
0xca: {  	[tilespmem:s14], [sflag:$0x5] =	stream.indirect.gather [hbm4b:s12+s5], $0x10, s3, s5, $0xb8;
	[tilespmem:$0x12480] =	vst v63  }
0xcb: {  	s15 =	rddreg [dreg:$0x9];
	s3 =	simm.s32 $0x3000  }
0xcc: {  	[tilespmem:s3], [sflag:$0x6] =	stream.indirect.gather [hbm4b:s12+s5], $0x10, s15, s5, $0xb8;
	[tilespmem:$0x12480] =	vst v63  }
0xcd: {  	s7 =	smov.u32 s4;
	s6 =	rddreg [dreg:$0xa];
	s15 =	simm.s32 $0x3800  }
0xce: {  	[tilespmem:s15], [sflag:$0x7] =	stream.indirect.gather [hbm4b:s12+s5], $0x10, s6, s5, $0xb8;
	[tilespmem:$0x12480] =	vst v63  }
0xcf: {  	s0 =	smov.u32 s7;
	s7 =	rddreg [dreg:$0xb]  }
0xd0: {  	[tilespmem:s16], [sflag:$0x8] =	stream.indirect.gather [hbm4b:s12+s5], $0x10, s7, s5, $0xb8;
	[tilespmem:$0x12480] =	vst v63  }
0xd1: {  	s7 =	simm.s32 $0x1  }
0xd2: {  	_ =	swait.ge [sflag:s7], $0x800  }
0xd3: {  	[sflag:s7] =	ssyncset.done $0x0  }
0xd4: {  	s6 =	simm.s32 $0x2;
	[sflag:s7] =	ssyncadd.s32 $0xFFFFF800  }
0xd5: {  	[spmem:s2] =	stream.indirect.scatter.add.bf16 [tilespmem:s9], [sflag:$0x9], $0x10, s8, s5, $0xb8;
	[tilespmem:$0x12480] =	vst v63  }
0xd6: {  	_ =	swait.ge [sflag:s6], $0x800  }
0xd7: {  	[sflag:s6] =	ssyncset.done $0x0  }
0xd8: {  	s8 =	rddreg [dreg:$0xc];
	[sflag:s6] =	ssyncadd.s32 $0xFFFFF800  }
0xd9: {  	[spmem:s2] =	stream.indirect.scatter.add.bf16 [tilespmem:s10], [sflag:$0xA], $0x10, s8, s5, $0xb8;
	[tilespmem:$0x12480] =	vst v63  }
0xda: {  	_ =	swait.ge [sflag:s17], $0x800  }
0xdb: {  	[sflag:s17] =	ssyncset.done $0x0  }
0xdc: {  	s9 =	rddreg [dreg:$0xd];
	[sflag:s17] =	ssyncadd.s32 $0xFFFFF800  }
0xdd: {  	[spmem:s2] =	stream.indirect.scatter.add.bf16 [tilespmem:s11], [sflag:$0xB], $0x10, s9, s5, $0xb8;
	[tilespmem:$0x12480] =	vst v63  }
0xde: {  	_ =	swait.ge [sflag:s18], $0x800  }
0xdf: {  	[sflag:s18] =	ssyncset.done $0x0  }
0xe0: {  	s10 =	rddreg [dreg:$0xe];
	[sflag:s18] =	ssyncadd.s32 $0xFFFFF800  }
0xe1: {  	[spmem:s2] =	stream.indirect.scatter.add.bf16 [tilespmem:s13], [sflag:$0xC], $0x10, s10, s5, $0xb8;
	[tilespmem:$0x12480] =	vst v63  }
0xe2: {  	_ =	swait.ge [sflag:s19], $0x800  }
0xe3: {  	[sflag:s19] =	ssyncset.done $0x0  }
0xe4: {  	s11 =	rddreg [dreg:$0xf];
	[sflag:s19] =	ssyncadd.s32 $0xFFFFF800  }
0xe5: {  	[spmem:s2] =	stream.indirect.scatter.add.bf16 [tilespmem:s14], [sflag:$0xD], $0x10, s11, s5, $0xb8;
	[tilespmem:$0x12480] =	vst v63  }
0xe6: {  	_ =	swait.ge [sflag:s20], $0x800  }
0xe7: {  	[sflag:s20] =	ssyncset.done $0x0  }
0xe8: {  	s13 =	rddreg [dreg:$0x10];
	[sflag:s20] =	ssyncadd.s32 $0xFFFFF800  }
0xe9: {  	[spmem:s2] =	stream.indirect.scatter.add.bf16 [tilespmem:s3], [sflag:$0xE], $0x10, s13, s5, $0xb8;
	[tilespmem:$0x12480] =	vst v63  }
0xea: {  	_ =	swait.ge [sflag:s21], $0x800  }
0xeb: {  	[sflag:s21] =	ssyncset.done $0x0  }
0xec: {  	s14 =	rddreg [dreg:$0x11];
	[sflag:s21] =	ssyncadd.s32 $0xFFFFF800  }
0xed: {  	[spmem:s2] =	stream.indirect.scatter.add.bf16 [tilespmem:s15], [sflag:$0xF], $0x10, s14, s5, $0xb8;
	[tilespmem:$0x12480] =	vst v63  }
0xee: {  	_ =	swait.ge [sflag:s22], $0x800  }
0xef: {  	[sflag:s22] =	ssyncset.done $0x0  }
0xf0: {  	s15 =	rddreg [dreg:$0x12];
	[sflag:s22] =	ssyncadd.s32 $0xFFFFF800  }
0xf1: {  	[spmem:s2] =	stream.indirect.scatter.add.bf16 [tilespmem:s16], [sflag:$0x10], $0x10, s15, s5, $0xb8;
	[tilespmem:$0x12480] =	vst v63  }
0xf2: {  	_ =	swait.ge [sflag:s23], $0x800  }
0xf3: {  	[sflag:s23] =	ssyncset.done $0x0  }
0xf4: {  	[sflag:s23] =	ssyncadd.s32 $0xFFFFF800  }
0xf5: {  	_ =	swait.ge [sflag:s24], $0x800  }
0xf6: {  	[sflag:s24] =	ssyncset.done $0x0  }
0xf7: {  	[sflag:s24] =	ssyncadd.s32 $0xFFFFF800  }
0xf8: {  	_ =	swait.ge [sflag:s25], $0x800  }
0xf9: {  	[sflag:s25] =	ssyncset.done $0x0  }
0xfa: {  	[sflag:s25] =	ssyncadd.s32 $0xFFFFF800  }
0xfb: {  	_ =	swait.ge [sflag:s26], $0x800  }
0xfc: {  	[sflag:s26] =	ssyncset.done $0x0  }
0xfd: {  	[sflag:s26] =	ssyncadd.s32 $0xFFFFF800  }
0xfe: {  	_ =	swait.ge [sflag:s28], $0x800  }
0xff: {  	[sflag:s28] =	ssyncset.done $0x0  }
0x100: {  	[sflag:s28] =	ssyncadd.s32 $0xFFFFF800  }
0x101: {  	_ =	swait.ge [sflag:s29], $0x800  }
0x102: {  	[sflag:s29] =	ssyncset.done $0x0  }
0x103: {  	p0 =	sne.s32 s4, $0x480;
	[sflag:s29] =	ssyncadd.s32 $0xFFFFF800  }
.Ltmp0:
0x104: {  	_ =	swait.ge [sflag:s30], $0x800;
	(pc) =	sbr.rel @p0 .LBB2_2-.Ltmp0, $4  }
0x105: {  	[sflag:s30] =	ssyncset.done $0x0  }
0x106: {  	[sflag:s30] =	ssyncadd.s32 $0xFFFFF800  }
0x107: {  	_ =	swait.ge [sflag:s31], $0x800  }
0x108: {  	s4 =	sadd.s32 $0x80, s4;
	s6 =	rddreg [dreg:$0x5];
	[sflag:s31] =	ssyncset.done $0x0  }
0x109: {  	[sflag:s31] =	ssyncadd.s32 $0xFFFFF800;
	s4 =	sadd.s32 s0, s6;
	s13 =	simm.s32 $0x0  }
0x10a: {  	[tilespmem:s13], [sflag:$0x11] =	stream.linear.gather [hbm4b:s4+s13], $0x400, $0x38;
	[tilespmem:$0x12480] =	vst v63  }
0x10b: {  	_ =	swait.ge [sflag:s1], $0x400  }
0x10c: {  	s10 =	rddreg [dreg:$0x4];
	[sflag:s1] =	ssyncset.done $0x0  }
0x10d: {  	s6 =	simm.s32 $0x400;
	[sflag:s1] =	ssyncadd.s32 $0xFFFFFC00;
	s11 =	sadd.s32 s0, s10  }
0x10e: {  	[tilespmem:s6], [sflag:$0x11] =	stream.linear.gather [hbm4b:s11+s13], $0x400, $0x38;
	[tilespmem:$0x12480] =	vst v63  }
0x10f: {  	_ =	swait.ge [sflag:s1], $0x400  }
0x110: {  	[sflag:s1] =	ssyncset.done $0x0  }
0x111: {  	s7 =	simm.s32 $0x800;
	[sflag:s1] =	ssyncadd.s32 $0xFFFFFC00  }
0x112: {  	[tilespmem:s7], [sflag:$0x1] =	stream.indirect.gather [hbm4b:s12+s5], $0x10, s13, s5, $0xb8;
	[tilespmem:$0x12480] =	vst v63  }
0x113: {  	s8 =	simm.s32 $0x1000  }
0x114: {  	[tilespmem:s8], [sflag:$0x2] =	stream.indirect.gather [hbm4b:s12+s5], $0x10, s5, s5, $0xb8;
	[tilespmem:$0x12480] =	vst v63  }
0x115: {  	s9 =	simm.s32 $0x1800;
	s14 =	rddreg [dreg:$0x6]  }
0x116: {  	[tilespmem:s9], [sflag:$0x3] =	stream.indirect.gather [hbm4b:s12+s5], $0x10, s14, s5, $0xb8;
	[tilespmem:$0x12480] =	vst v63  }
0x117: {  	s10 =	simm.s32 $0x2000;
	s15 =	rddreg [dreg:$0x7]  }
0x118: {  	[tilespmem:s10], [sflag:$0x4] =	stream.indirect.gather [hbm4b:s12+s5], $0x10, s15, s5, $0xb8;
	[tilespmem:$0x12480] =	vst v63  }
0x119: {  	s11 =	simm.s32 $0x2800;
	s3 =	rddreg [dreg:$0x8]  }
0x11a: {  	[tilespmem:s11], [sflag:$0x5] =	stream.indirect.gather [hbm4b:s12+s5], $0x10, s3, s5, $0xb8;
	[tilespmem:$0x12480] =	vst v63  }
0x11b: {  	s14 =	rddreg [dreg:$0x9];
	s3 =	simm.s32 $0x3000  }
0x11c: {  	[tilespmem:s3], [sflag:$0x6] =	stream.indirect.gather [hbm4b:s12+s5], $0x10, s14, s5, $0xb8;
	[tilespmem:$0x12480] =	vst v63  }
0x11d: {  	s15 =	rddreg [dreg:$0xa];
	s14 =	simm.s32 $0x3800  }
0x11e: {  	[tilespmem:s14], [sflag:$0x7] =	stream.indirect.gather [hbm4b:s12+s5], $0x10, s15, s5, $0xb8;
	[tilespmem:$0x12480] =	vst v63  }
0x11f: {  	s4 =	rddreg [dreg:$0xb];
	s15 =	simm.s32 $0x4000  }
0x120: {  	[tilespmem:s15], [sflag:$0x8] =	stream.indirect.gather [hbm4b:s12+s5], $0x10, s4, s5, $0xb8;
	[tilespmem:$0x12480] =	vst v63  }
0x121: {  	s4 =	simm.s32 $0x1  }
0x122: {  	_ =	swait.ge [sflag:s4], $0x800  }
0x123: {  	[sflag:s4] =	ssyncset.done $0x0  }
0x124: {  	s0 =	simm.s32 $0x2;
	[sflag:s4] =	ssyncadd.s32 $0xFFFFF800  }
0x125: {  	[spmem:s2] =	stream.indirect.scatter.add.bf16 [tilespmem:s7], [sflag:$0x9], $0x10, s6, s5, $0xb8;
	[tilespmem:$0x12480] =	vst v63  }
0x126: {  	_ =	swait.ge [sflag:s0], $0x800  }
0x127: {  	[sflag:s0] =	ssyncset.done $0x0  }
0x128: {  	s6 =	rddreg [dreg:$0xc];
	[sflag:s0] =	ssyncadd.s32 $0xFFFFF800  }
0x129: {  	[spmem:s2] =	stream.indirect.scatter.add.bf16 [tilespmem:s8], [sflag:$0xA], $0x10, s6, s5, $0xb8;
	[tilespmem:$0x12480] =	vst v63  }
0x12a: {  	_ =	swait.ge [sflag:s17], $0x800  }
0x12b: {  	[sflag:s17] =	ssyncset.done $0x0  }
0x12c: {  	s7 =	rddreg [dreg:$0xd];
	[sflag:s17] =	ssyncadd.s32 $0xFFFFF800  }
0x12d: {  	[spmem:s2] =	stream.indirect.scatter.add.bf16 [tilespmem:s9], [sflag:$0xB], $0x10, s7, s5, $0xb8;
	[tilespmem:$0x12480] =	vst v63  }
0x12e: {  	_ =	swait.ge [sflag:s18], $0x800  }
0x12f: {  	[sflag:s18] =	ssyncset.done $0x0  }
0x130: {  	s8 =	rddreg [dreg:$0xe];
	[sflag:s18] =	ssyncadd.s32 $0xFFFFF800  }
0x131: {  	[spmem:s2] =	stream.indirect.scatter.add.bf16 [tilespmem:s10], [sflag:$0xC], $0x10, s8, s5, $0xb8;
	[tilespmem:$0x12480] =	vst v63  }
0x132: {  	_ =	swait.ge [sflag:s19], $0x800  }
0x133: {  	[sflag:s19] =	ssyncset.done $0x0  }
0x134: {  	s9 =	rddreg [dreg:$0xf];
	[sflag:s19] =	ssyncadd.s32 $0xFFFFF800  }
0x135: {  	[spmem:s2] =	stream.indirect.scatter.add.bf16 [tilespmem:s11], [sflag:$0xD], $0x10, s9, s5, $0xb8;
	[tilespmem:$0x12480] =	vst v63  }
0x136: {  	_ =	swait.ge [sflag:s20], $0x800  }
0x137: {  	[sflag:s20] =	ssyncset.done $0x0  }
0x138: {  	s10 =	rddreg [dreg:$0x10];
	[sflag:s20] =	ssyncadd.s32 $0xFFFFF800  }
0x139: {  	[spmem:s2] =	stream.indirect.scatter.add.bf16 [tilespmem:s3], [sflag:$0xE], $0x10, s10, s5, $0xb8;
	[tilespmem:$0x12480] =	vst v63  }
0x13a: {  	_ =	swait.ge [sflag:s21], $0x800  }
0x13b: {  	[sflag:s21] =	ssyncset.done $0x0  }
0x13c: {  	s11 =	rddreg [dreg:$0x11];
	[sflag:s21] =	ssyncadd.s32 $0xFFFFF800  }
0x13d: {  	[spmem:s2] =	stream.indirect.scatter.add.bf16 [tilespmem:s14], [sflag:$0xF], $0x10, s11, s5, $0xb8;
	[tilespmem:$0x12480] =	vst v63  }
0x13e: {  	_ =	swait.ge [sflag:s22], $0x800  }
0x13f: {  	[sflag:s22] =	ssyncset.done $0x0  }
0x140: {  	s14 =	rddreg [dreg:$0x12];
	[sflag:s22] =	ssyncadd.s32 $0xFFFFF800  }
0x141: {  	[spmem:s2] =	stream.indirect.scatter.add.bf16 [tilespmem:s15], [sflag:$0x10], $0x10, s14, s5, $0xb8;
	[tilespmem:$0x12480] =	vst v63  }
0x142: {  	_ =	swait.ge [sflag:s23], $0x800  }
0x143: {  	[sflag:s23] =	ssyncset.done $0x0  }
0x144: {  	[sflag:s23] =	ssyncadd.s32 $0xFFFFF800  }
0x145: {  	_ =	swait.ge [sflag:s24], $0x800  }
0x146: {  	[sflag:s24] =	ssyncset.done $0x0  }
0x147: {  	[sflag:s24] =	ssyncadd.s32 $0xFFFFF800  }
0x148: {  	_ =	swait.ge [sflag:s25], $0x800  }
0x149: {  	[sflag:s25] =	ssyncset.done $0x0  }
0x14a: {  	[sflag:s25] =	ssyncadd.s32 $0xFFFFF800  }
0x14b: {  	_ =	swait.ge [sflag:s26], $0x800  }
0x14c: {  	[sflag:s26] =	ssyncset.done $0x0  }
0x14d: {  	[sflag:s26] =	ssyncadd.s32 $0xFFFFF800  }
0x14e: {  	_ =	swait.ge [sflag:s28], $0x800  }
0x14f: {  	[sflag:s28] =	ssyncset.done $0x0  }
0x150: {  	[sflag:s28] =	ssyncadd.s32 $0xFFFFF800  }
0x151: {  	_ =	swait.ge [sflag:s29], $0x800  }
0x152: {  	[sflag:s29] =	ssyncset.done $0x0  }
0x153: {  	[sflag:s29] =	ssyncadd.s32 $0xFFFFF800  }
0x154: {  	_ =	swait.ge [sflag:s30], $0x800  }
0x155: {  	[sflag:s30] =	ssyncset.done $0x0  }
0x156: {  	[sflag:s30] =	ssyncadd.s32 $0xFFFFF800  }
0x157: {  	_ =	swait.ge [sflag:s31], $0x800  }
0x158: {  	[sflag:s31] =	ssyncset.done $0x0  }
0x159: {  	[sflag:s31] =	ssyncadd.s32 $0xFFFFF800  }
0x15a: {  	[bflag:$0x0] =	sbarrier.arrive $0xFFFF  }
0x15b: {  	s4 =	simm.s32 $0x4800;
	s3 =	rddreg [dreg:$0x1c]  }
0x15c: {  	[tilespmem:s4], [sflag:$0x11] =	stream.linear.gather [spmem:s3], $0x1880, $0x38;
	[tilespmem:$0x12480] =	vst v63  }
0x15d: {  	_ =	swait.ge [sflag:s1], $0x1880  }
0x15e: {  	[sflag:s1] =	ssyncset.done $0x0  }
0x15f: {  	s6 =	rddreg [dreg:$0x13];
	[sflag:s1] =	ssyncadd.s32 $0xFFFFE780  }
0x160: {  	[hbm4b:s6+s13] =	stream.linear.scatter [tilespmem:s4], [sflag:$0x11], $0x1880, $0x38;
	[tilespmem:$0x12480] =	vst v63  }
0x161: {  	_ =	swait.ge [sflag:s1], $0x1880  }
0x162: {  	s7 =	sld [smem:$0x7F7]  }
0x163: {  	[sflag:s1] =	ssyncset.done $0x0  }
0x164: {  	[sflag:s1] =	ssyncadd.s32 $0xFFFFE780  }
0x165: {  	[tilespmem:s4], [sflag:$0x11] =	stream.linear.gather [spmem:s7], $0x1880, $0x38;
	[tilespmem:$0x12480] =	vst v63  }
0x166: {  	_ =	swait.ge [sflag:s1], $0x1880  }
0x167: {  	[sflag:s1] =	ssyncset.done $0x0  }
0x168: {  	s8 =	rddreg [dreg:$0x14];
	[sflag:s1] =	ssyncadd.s32 $0xFFFFE780  }
0x169: {  	[hbm4b:s8+s13] =	stream.linear.scatter [tilespmem:s4], [sflag:$0x11], $0x1880, $0x38;
	[tilespmem:$0x12480] =	vst v63  }
0x16a: {  	_ =	swait.ge [sflag:s1], $0x1880  }
0x16b: {  	s9 =	sld [smem:$0x7F8]  }
0x16c: {  	[sflag:s1] =	ssyncset.done $0x0  }
0x16d: {  	[sflag:s1] =	ssyncadd.s32 $0xFFFFE780  }
0x16e: {  	[tilespmem:s4], [sflag:$0x11] =	stream.linear.gather [spmem:s9], $0x1880, $0x38;
	[tilespmem:$0x12480] =	vst v63  }
0x16f: {  	_ =	swait.ge [sflag:s1], $0x1880  }
0x170: {  	[sflag:s1] =	ssyncset.done $0x0  }
0x171: {  	s10 =	rddreg [dreg:$0x15];
	[sflag:s1] =	ssyncadd.s32 $0xFFFFE780  }
0x172: {  	[hbm4b:s10+s13] =	stream.linear.scatter [tilespmem:s4], [sflag:$0x11], $0x1880, $0x38;
	[tilespmem:$0x12480] =	vst v63  }
0x173: {  	_ =	swait.ge [sflag:s1], $0x1880  }
0x174: {  	s11 =	sld [smem:$0x7F9]  }
0x175: {  	[sflag:s1] =	ssyncset.done $0x0  }
0x176: {  	[sflag:s1] =	ssyncadd.s32 $0xFFFFE780  }
0x177: {  	[tilespmem:s4], [sflag:$0x11] =	stream.linear.gather [spmem:s11], $0x1880, $0x38;
	[tilespmem:$0x12480] =	vst v63  }
0x178: {  	_ =	swait.ge [sflag:s1], $0x1880  }
0x179: {  	[sflag:s1] =	ssyncset.done $0x0  }
0x17a: {  	s14 =	rddreg [dreg:$0x16];
	[sflag:s1] =	ssyncadd.s32 $0xFFFFE780  }
0x17b: {  	[hbm4b:s14+s13] =	stream.linear.scatter [tilespmem:s4], [sflag:$0x11], $0x1880, $0x38;
	[tilespmem:$0x12480] =	vst v63  }
0x17c: {  	_ =	swait.ge [sflag:s1], $0x1880  }
0x17d: {  	s15 =	sld [smem:$0x7FA]  }
0x17e: {  	[sflag:s1] =	ssyncset.done $0x0  }
0x17f: {  	[sflag:s1] =	ssyncadd.s32 $0xFFFFE780  }
0x180: {  	[tilespmem:s4], [sflag:$0x11] =	stream.linear.gather [spmem:s15], $0x1880, $0x38;
	[tilespmem:$0x12480] =	vst v63  }
0x181: {  	_ =	swait.ge [sflag:s1], $0x1880  }
0x182: {  	[sflag:s1] =	ssyncset.done $0x0  }
0x183: {  	s3 =	rddreg [dreg:$0x17];
	[sflag:s1] =	ssyncadd.s32 $0xFFFFE780  }
0x184: {  	[hbm4b:s3+s13] =	stream.linear.scatter [tilespmem:s4], [sflag:$0x11], $0x1880, $0x38;
	[tilespmem:$0x12480] =	vst v63  }
0x185: {  	_ =	swait.ge [sflag:s1], $0x1880  }
0x186: {  	s6 =	sld [smem:$0x7FB]  }
0x187: {  	[sflag:s1] =	ssyncset.done $0x0  }
0x188: {  	[sflag:s1] =	ssyncadd.s32 $0xFFFFE780  }
0x189: {  	[tilespmem:s4], [sflag:$0x11] =	stream.linear.gather [spmem:s6], $0x1880, $0x38;
	[tilespmem:$0x12480] =	vst v63  }
0x18a: {  	_ =	swait.ge [sflag:s1], $0x1880  }
0x18b: {  	[sflag:s1] =	ssyncset.done $0x0  }
0x18c: {  	s7 =	rddreg [dreg:$0x18];
	[sflag:s1] =	ssyncadd.s32 $0xFFFFE780  }
0x18d: {  	[hbm4b:s7+s13] =	stream.linear.scatter [tilespmem:s4], [sflag:$0x11], $0x1880, $0x38;
	[tilespmem:$0x12480] =	vst v63  }
0x18e: {  	_ =	swait.ge [sflag:s1], $0x1880  }
0x18f: {  	s8 =	sld [smem:$0x7FC]  }
0x190: {  	[sflag:s1] =	ssyncset.done $0x0  }
0x191: {  	[sflag:s1] =	ssyncadd.s32 $0xFFFFE780  }
0x192: {  	[tilespmem:s4], [sflag:$0x11] =	stream.linear.gather [spmem:s8], $0x1880, $0x38;
	[tilespmem:$0x12480] =	vst v63  }
0x193: {  	_ =	swait.ge [sflag:s1], $0x1880  }
0x194: {  	[sflag:s1] =	ssyncset.done $0x0  }
0x195: {  	s9 =	rddreg [dreg:$0x19];
	[sflag:s1] =	ssyncadd.s32 $0xFFFFE780  }
0x196: {  	[hbm4b:s9+s13] =	stream.linear.scatter [tilespmem:s4], [sflag:$0x11], $0x1880, $0x38;
	[tilespmem:$0x12480] =	vst v63  }
0x197: {  	_ =	swait.ge [sflag:s1], $0x1880  }
0x198: {  	s10 =	sld [smem:$0x7FD]  }
0x199: {  	[sflag:s1] =	ssyncset.done $0x0  }
0x19a: {  	[sflag:s1] =	ssyncadd.s32 $0xFFFFE780  }
0x19b: {  	[tilespmem:s4], [sflag:$0x11] =	stream.linear.gather [spmem:s10], $0x1880, $0x38;
	[tilespmem:$0x12480] =	vst v63  }
0x19c: {  	_ =	swait.ge [sflag:s1], $0x1880  }
0x19d: {  	[sflag:s1] =	ssyncset.done $0x0  }
0x19e: {  	s11 =	rddreg [dreg:$0x1a];
	[sflag:s1] =	ssyncadd.s32 $0xFFFFE780  }
0x19f: {  	[hbm4b:s11+s13] =	stream.linear.scatter [tilespmem:s4], [sflag:$0x11], $0x1880, $0x38;
	[tilespmem:$0x12480] =	vst v63  }
0x1a0: {  	_ =	swait.ge [sflag:s1], $0x1880  }
0x1a1: {  	s14 =	sld [smem:$0x7F0];
	_ =	sdelay $0x2  }
0x1a2: {  	s15 =	rddreg [dreg:$0x1d];
	s3 =	sadd.s32 $0x1, s14  }
0x1a3: {  	p0 =	sne.s32 s3, s15  }
.Ltmp1:
0x1a4: {  	_ = 	snop;
	(pc) =	sbr.rel @p0 .LBB2_1-.Ltmp1, $3  }
0x1a5: {  	[sflag:s1] =	ssyncset.done $0x0  }
0x1a6: {  	[sflag:s1] =	ssyncadd.s32 $0xFFFFE780  }
0x1a7: {  	[bflag:$0x0] =	sbarrier.arrive $0xFFFF;
	_ =	sdelay $0x1  }
0x1a8: {  	_ =	sfence.sel $0x180000  }
0x1a9: {  	[bflag:$0x0] =	sbarrier.arrive $0xFFFF  }
0x1aa: {  	_ =	strace $0x9000004A  }
0x1ab: {  	s0 =	stileid.u32;
	[bflag:$0x2] =	sbarrier.arrive $0xFFFF  }
0x1ac: {  	p0 =	sne.s32 s0, $0x0;
	s0 =	rddreg [dreg:$0x3]  }
0x1ad: {  	s0 =	sadd.s32 @!p0 $0x100000, s0  }
0x1ae: {  	[sflag:s0] =	ssyncadd.tile.s32 @!p0 $0x1;
	_ =	shalt  }
.Lfunc_end2:
_tile_overlayer_lowered:
.L_overlay_start_2:
0x1af: {  	(tag) =	ssettag $0x2  }
0x1b0: {  	s0 =	rddreg [dreg:$0x0];
	s2 =	stileid.u32  }
0x1b1: {  	s1 =	rddreg [dreg:$0x1];
	p0 =	sne.s32 s2, $0x0  }
0x1b2: {  	s3 =	rddreg [dreg:$0x2];
	[bflag:$0x3] =	sbarrier.arrive $0xFFFF;
	s2 =	simm.s32 @!p0 $0x1C11  }
0x1b3: {  	[timem:s3], [sflag:s2] =	dma.local @!p0 [hbm:s0], s1  }
0x1b4: {  	s0 =	simm.s32 @!p0 $0x11  }
0x1b5: {  	_ =	swait.ge @!p0 [sflag:s0], s1  }
0x1b6: {  	s1 =	ssub.s32 @!p0 $0x0, s1;
	[sflag:s0] =	ssyncset.done @!p0 $0x0  }
0x1b7: {  	[sflag:s0] =	ssyncadd.s32 @!p0 s1  }
0x1b8: {  	[bflag:$0x3] =	sbarrier.arrive $0xFFFF  }
0x1b9: {  	_ =	shalt  }

</sc_bundles>
